<compile_context>
chip_gen: v7x
topology: tpu7x:2x2x1
jax: 0.10.2.dev20260603
libtpu: 0.0.44.dev20260713+nightly
codegen_flags: <defaults>
</compile_context>

<pallas_src>
import functools

import jax
import jax.numpy as jnp
from jax import lax
from jax.experimental import pallas as pl
from jax.experimental.pallas import tpu as pltpu
from jax.experimental.pallas import tpu_sc as plsc

BATCH = 4096
N_FIELDS = 26
EMB = 128
TOT = BATCH * N_FIELDS
NW = 32
PER_W = TOT // NW
CH = 104
NCH = PER_W // CH
RING = 8
DEPTH = 4

@functools.cache
def _build_gather():
    mesh = plsc.VectorSubcoreMesh(core_axis_name="c", subcore_axis_name="s")
    return functools.partial(
        pl.kernel,
        mesh=mesh,
        out_type=jax.ShapeDtypeStruct((TOT, EMB), jnp.float32),
        scratch_types=[
            pltpu.VMEM((NCH, CH), jnp.int32),
            pltpu.VMEM((RING, CH, EMB), jnp.float32),
            pltpu.SemaphoreType.DMA((RING,)),
            pltpu.SemaphoreType.DMA((RING,)),
        ],
    )(_gather)


def _gather(table_hbm, idx_hbm, out_hbm, idx_v, rows_v, gsems, wsems):
    wid = lax.axis_index("s") * 2 + lax.axis_index("c")
    base = wid * PER_W
    pltpu.sync_copy(idx_hbm.at[wid], idx_v)

    def wait_gather(r):
        pltpu.make_async_copy(
            table_hbm.at[pl.ds(0, CH)], rows_v.at[r], gsems.at[r]
        ).wait()

    def wait_write(r):
        pltpu.make_async_copy(
            table_hbm.at[pl.ds(0, CH)], rows_v.at[r], wsems.at[r]
        ).wait()

    def start_gather(j, r):
        pltpu.async_copy(table_hbm.at[idx_v.at[j]], rows_v.at[r], gsems.at[r])

    def start_write(j, r):
        pltpu.async_copy(
            rows_v.at[r], out_hbm.at[pl.ds(base + j * CH, CH)], wsems.at[r]
        )

    for j in range(DEPTH):
        start_gather(j, j)
    for j in range(DEPTH):
        wait_gather(j)
        start_write(j, j)
        start_gather(j + DEPTH, j + DEPTH)

    def group(g, carry):
        for b in range(RING):
            j = DEPTH + g * RING + b
            rr = (DEPTH + b) % RING
            q = (rr + DEPTH) % RING
            wait_gather(rr)
            start_write(j, rr)
            wait_write(q)
            start_gather(j + DEPTH, q)
        return carry

    lax.fori_loop(0, (NCH - 2 * DEPTH) // RING, group, 0)

    for b in range(DEPTH):
        j = NCH - DEPTH + b
        rr = j % RING
        wait_gather(rr)
        start_write(j, rr)
    for r in range(RING):
        wait_write(r)


def kernel(inputs, embedding):
    idx = inputs.astype(jnp.int32).T.reshape(NW, NCH, CH)
    out = _build_gather()(embedding, idx)
    return out.reshape(N_FIELDS, BATCH, EMB).transpose(1, 0, 2)

# --- scband reference (transcript-rebuilt; emitter-appended) ---
"""Pipeline reference for scband-embedding-layer-28295244546810 (READ-ONLY COPY).

The authoritative reference and input builder live on the scoring server;
editing this copy changes nothing except your own understanding.
"""

import jax, jax.numpy as jnp
import numpy as np

FEATURE_SIZE = 100000
EMB_SIZE = 128
BATCH = 4096
N_FIELDS = 26

def setup_inputs(seed: int = 0) -> dict:
    key = jax.random.key(seed)
    k1, k2 = jax.random.split(key)
    inputs = jax.random.randint(k1, (BATCH, N_FIELDS), 0, FEATURE_SIZE + 1, dtype=jnp.int64 if jax.config.jax_enable_x64 else jnp.int32)
    embedding = jax.random.normal(k2, (FEATURE_SIZE + 1, EMB_SIZE), dtype=jnp.float32) * 0.05
    return {"inputs": inputs, "embedding": embedding}

def reference(inputs, embedding):
    # tf.nn.embedding_lookup(self.embedding, inputs)
    return jnp.take(embedding, inputs, axis=0)

if __name__ == "__main__":
    import jax
    _d = setup_inputs()
    print(jax.jit(kernel)(*tuple(_d.values())))

</pallas_src>

<mosaic_0001>
#map = affine_map<(d0, d1) -> (0, 0)>
#map1 = affine_map<(d0, d1) -> (0, 0, 0)>
module attributes {stable_mosaic.version = 14 : i64} {
  func.func @_gather(%arg0: i32, %arg1: i32, %arg2: memref<100001x128xf32, #tpu.memory_space<hbm>>, %arg3: memref<32x32x104xi32, #tpu.memory_space<hbm>>, %arg4: memref<106496x128xf32, #tpu.memory_space<hbm>>, %arg5: memref<32x104xi32, #tpu.memory_space<vmem>>, %arg6: memref<8x104x128xf32, #tpu.memory_space<vmem>>, %arg7: memref<8x!tpu.dma_semaphore, #tpu.memory_space<semaphore_mem>>, %arg8: memref<8x!tpu.dma_semaphore, #tpu.memory_space<semaphore_mem>>) attributes {dimension_semantics = [#tpu.dimension_semantics<core_parallel>, #tpu.dimension_semantics<subcore_parallel>], iteration_bounds = array<i64: 2, 16>, scalar_prefetch = 0 : i64, scratch_operands = 4 : i64, tpu.core_type = #tpu.core_type<sc_vector_subcore>, window_params = [{transform_indices = #map}, {transform_indices = #map1}, {transform_indices = #map}]} {
    %mul3A = arith.constant 2 : i32
    %mul3A_0 = arith.muli %arg1, %mul3A : i32
    %add3A = arith.addi %mul3A_0, %arg0 : i32
    %mul3A_1 = arith.constant 3328 : i32
    %mul3A_2 = arith.muli %add3A, %mul3A_1 : i32
    "tpu.region"() ({
      %run_scoped3A = tpu.sem_alloc : memref<!tpu.dma_semaphore, #tpu.memory_space<semaphore_mem>>
      %dma_start3A_558 = arith.constant 0 : i32
      %dma_start3A_559 = arith.constant 0 : i32
      %dma_start3A_560 = tpu.memref_slice %arg3[%add3A, %dma_start3A_558, %dma_start3A_559] : memref<32x32x104xi32, #tpu.memory_space<hbm>> -> memref<1x32x104xi32, #tpu.memory_space<hbm>>
      %dma_start3A_561 = tpu.memref_squeeze %dma_start3A_560 : memref<1x32x104xi32, #tpu.memory_space<hbm>> -> memref<32x104xi32, #tpu.memory_space<hbm>>
      %dma_start3A_562 = arith.constant 0 : i32
      %dma_start3A_563 = arith.constant 0 : i32
      %dma_start3A_564 = tpu.memref_slice %arg3[%add3A, %dma_start3A_562, %dma_start3A_563] : memref<32x32x104xi32, #tpu.memory_space<hbm>> -> memref<1x32x104xi32, #tpu.memory_space<hbm>>
      %dma_start3A_565 = tpu.memref_squeeze %dma_start3A_564 : memref<1x32x104xi32, #tpu.memory_space<hbm>> -> memref<32x104xi32, #tpu.memory_space<hbm>>
      tpu.enqueue_dma source(%dma_start3A_565 : memref<32x104xi32, #tpu.memory_space<hbm>>) target(%arg5 : memref<32x104xi32, #tpu.memory_space<vmem>>) target_semaphore(%run_scoped3A : memref<!tpu.dma_semaphore, #tpu.memory_space<semaphore_mem>>)
      %dma_wait3A_566 = arith.constant 0 : i32
      %dma_wait3A_567 = arith.constant 0 : i32
      %dma_wait3A_568 = tpu.memref_slice %arg3[%add3A, %dma_wait3A_566, %dma_wait3A_567] : memref<32x32x104xi32, #tpu.memory_space<hbm>> -> memref<1x32x104xi32, #tpu.memory_space<hbm>>
      %dma_wait3A_569 = tpu.memref_squeeze %dma_wait3A_568 : memref<1x32x104xi32, #tpu.memory_space<hbm>> -> memref<32x104xi32, #tpu.memory_space<hbm>>
      %dma_wait3A_570 = arith.constant 0 : i32
      %dma_wait3A_571 = arith.constant 0 : i32
      %dma_wait3A_572 = tpu.memref_slice %arg3[%add3A, %dma_wait3A_570, %dma_wait3A_571] : memref<32x32x104xi32, #tpu.memory_space<hbm>> -> memref<1x32x104xi32, #tpu.memory_space<hbm>>
      %dma_wait3A_573 = tpu.memref_squeeze %dma_wait3A_572 : memref<1x32x104xi32, #tpu.memory_space<hbm>> -> memref<32x104xi32, #tpu.memory_space<hbm>>
      tpu.wait_dma2 semaphore(%run_scoped3A : memref<!tpu.dma_semaphore, #tpu.memory_space<semaphore_mem>>) src(%dma_wait3A_573 : memref<32x104xi32, #tpu.memory_space<hbm>>) dst(%arg5 : memref<32x104xi32, #tpu.memory_space<vmem>>)
      tpu.yield
    }) : () -> ()
    %dma_start3A = arith.constant 0 : i32
    %dma_start3A_3 = arith.constant 0 : i32
    %dma_start3A_4 = arith.constant 0 : i32
    %dma_start3A_5 = arith.constant 0 : i32
    %dma_start3A_6 = arith.constant 0 : i32
    %dma_start3A_7 = tpu.memref_slice %arg6[%dma_start3A_3, %dma_start3A_5, %dma_start3A_6] : memref<8x104x128xf32, #tpu.memory_space<vmem>> -> memref<1x104x128xf32, #tpu.memory_space<vmem>>
    %dma_start3A_8 = tpu.memref_squeeze %dma_start3A_7 : memref<1x104x128xf32, #tpu.memory_space<vmem>> -> memref<104x128xf32, #tpu.memory_space<vmem>>
    %dma_start3A_9 = arith.constant 0 : i32
    %dma_start3A_10 = tpu.memref_slice %arg5[%dma_start3A, %dma_start3A_9] : memref<32x104xi32, #tpu.memory_space<vmem>> -> memref<1x104xi32, #tpu.memory_space<vmem>>
    %dma_start3A_11 = tpu.memref_squeeze %dma_start3A_10 : memref<1x104xi32, #tpu.memory_space<vmem>> -> memref<104xi32, #tpu.memory_space<vmem>>
    %dma_start3A_12 = arith.constant 0 : i32
    %dma_start3A_13 = arith.constant 0 : i32
    %dma_start3A_14 = tpu.memref_slice %arg2[%dma_start3A_12, %dma_start3A_13] : memref<100001x128xf32, #tpu.memory_space<hbm>> -> memref<100001x128xf32, #tpu.memory_space<hbm>>
    %dma_start3A_15 = tpu.memref_slice %arg7[%dma_start3A_4] : memref<8x!tpu.dma_semaphore, #tpu.memory_space<semaphore_mem>> -> memref<1x!tpu.dma_semaphore, #tpu.memory_space<semaphore_mem>>
    %dma_start3A_16 = tpu.memref_squeeze %dma_start3A_15 : memref<1x!tpu.dma_semaphore, #tpu.memory_space<semaphore_mem>> -> memref<!tpu.dma_semaphore, #tpu.memory_space<semaphore_mem>>
    tpu.enqueue_indirect_dma source(%dma_start3A_14 : memref<100001x128xf32, #tpu.memory_space<hbm>>) target(%dma_start3A_8 : memref<104x128xf32, #tpu.memory_space<vmem>>) offsets(%dma_start3A_11 : memref<104xi32, #tpu.memory_space<vmem>>) semaphore(%dma_start3A_16 : memref<!tpu.dma_semaphore, #tpu.memory_space<semaphore_mem>>)
    %dma_start3A_17 = arith.constant 1 : i32
    %dma_start3A_18 = arith.constant 1 : i32
    %dma_start3A_19 = arith.constant 1 : i32
    %dma_start3A_20 = arith.constant 0 : i32
    %dma_start3A_21 = arith.constant 0 : i32
    %dma_start3A_22 = tpu.memref_slice %arg6[%dma_start3A_18, %dma_start3A_20, %dma_start3A_21] : memref<8x104x128xf32, #tpu.memory_space<vmem>> -> memref<1x104x128xf32, #tpu.memory_space<vmem>>
    %dma_start3A_23 = tpu.memref_squeeze %dma_start3A_22 : memref<1x104x128xf32, #tpu.memory_space<vmem>> -> memref<104x128xf32, #tpu.memory_space<vmem>>
    %dma_start3A_24 = arith.constant 0 : i32
    %dma_start3A_25 = tpu.memref_slice %arg5[%dma_start3A_17, %dma_start3A_24] : memref<32x104xi32, #tpu.memory_space<vmem>> -> memref<1x104xi32, #tpu.memory_space<vmem>>
    %dma_start3A_26 = tpu.memref_squeeze %dma_start3A_25 : memref<1x104xi32, #tpu.memory_space<vmem>> -> memref<104xi32, #tpu.memory_space<vmem>>
    %dma_start3A_27 = arith.constant 0 : i32
    %dma_start3A_28 = arith.constant 0 : i32
    %dma_start3A_29 = tpu.memref_slice %arg2[%dma_start3A_27, %dma_start3A_28] : memref<100001x128xf32, #tpu.memory_space<hbm>> -> memref<100001x128xf32, #tpu.memory_space<hbm>>
    %dma_start3A_30 = tpu.memref_slice %arg7[%dma_start3A_19] : memref<8x!tpu.dma_semaphore, #tpu.memory_space<semaphore_mem>> -> memref<1x!tpu.dma_semaphore, #tpu.memory_space<semaphore_mem>>
    %dma_start3A_31 = tpu.memref_squeeze %dma_start3A_30 : memref<1x!tpu.dma_semaphore, #tpu.memory_space<semaphore_mem>> -> memref<!tpu.dma_semaphore, #tpu.memory_space<semaphore_mem>>
    tpu.enqueue_indirect_dma source(%dma_start3A_29 : memref<100001x128xf32, #tpu.memory_space<hbm>>) target(%dma_start3A_23 : memref<104x128xf32, #tpu.memory_space<vmem>>) offsets(%dma_start3A_26 : memref<104xi32, #tpu.memory_space<vmem>>) semaphore(%dma_start3A_31 : memref<!tpu.dma_semaphore, #tpu.memory_space<semaphore_mem>>)
    %dma_start3A_32 = arith.constant 2 : i32
    %dma_start3A_33 = arith.constant 2 : i32
    %dma_start3A_34 = arith.constant 2 : i32
    %dma_start3A_35 = arith.constant 0 : i32
    %dma_start3A_36 = arith.constant 0 : i32
    %dma_start3A_37 = tpu.memref_slice %arg6[%dma_start3A_33, %dma_start3A_35, %dma_start3A_36] : memref<8x104x128xf32, #tpu.memory_space<vmem>> -> memref<1x104x128xf32, #tpu.memory_space<vmem>>
    %dma_start3A_38 = tpu.memref_squeeze %dma_start3A_37 : memref<1x104x128xf32, #tpu.memory_space<vmem>> -> memref<104x128xf32, #tpu.memory_space<vmem>>
    %dma_start3A_39 = arith.constant 0 : i32
    %dma_start3A_40 = tpu.memref_slice %arg5[%dma_start3A_32, %dma_start3A_39] : memref<32x104xi32, #tpu.memory_space<vmem>> -> memref<1x104xi32, #tpu.memory_space<vmem>>
    %dma_start3A_41 = tpu.memref_squeeze %dma_start3A_40 : memref<1x104xi32, #tpu.memory_space<vmem>> -> memref<104xi32, #tpu.memory_space<vmem>>
    %dma_start3A_42 = arith.constant 0 : i32
    %dma_start3A_43 = arith.constant 0 : i32
    %dma_start3A_44 = tpu.memref_slice %arg2[%dma_start3A_42, %dma_start3A_43] : memref<100001x128xf32, #tpu.memory_space<hbm>> -> memref<100001x128xf32, #tpu.memory_space<hbm>>
    %dma_start3A_45 = tpu.memref_slice %arg7[%dma_start3A_34] : memref<8x!tpu.dma_semaphore, #tpu.memory_space<semaphore_mem>> -> memref<1x!tpu.dma_semaphore, #tpu.memory_space<semaphore_mem>>
    %dma_start3A_46 = tpu.memref_squeeze %dma_start3A_45 : memref<1x!tpu.dma_semaphore, #tpu.memory_space<semaphore_mem>> -> memref<!tpu.dma_semaphore, #tpu.memory_space<semaphore_mem>>
    tpu.enqueue_indirect_dma source(%dma_start3A_44 : memref<100001x128xf32, #tpu.memory_space<hbm>>) target(%dma_start3A_38 : memref<104x128xf32, #tpu.memory_space<vmem>>) offsets(%dma_start3A_41 : memref<104xi32, #tpu.memory_space<vmem>>) semaphore(%dma_start3A_46 : memref<!tpu.dma_semaphore, #tpu.memory_space<semaphore_mem>>)
    %dma_start3A_47 = arith.constant 3 : i32
    %dma_start3A_48 = arith.constant 3 : i32
    %dma_start3A_49 = arith.constant 3 : i32
    %dma_start3A_50 = arith.constant 0 : i32
    %dma_start3A_51 = arith.constant 0 : i32
    %dma_start3A_52 = tpu.memref_slice %arg6[%dma_start3A_48, %dma_start3A_50, %dma_start3A_51] : memref<8x104x128xf32, #tpu.memory_space<vmem>> -> memref<1x104x128xf32, #tpu.memory_space<vmem>>
    %dma_start3A_53 = tpu.memref_squeeze %dma_start3A_52 : memref<1x104x128xf32, #tpu.memory_space<vmem>> -> memref<104x128xf32, #tpu.memory_space<vmem>>
    %dma_start3A_54 = arith.constant 0 : i32
    %dma_start3A_55 = tpu.memref_slice %arg5[%dma_start3A_47, %dma_start3A_54] : memref<32x104xi32, #tpu.memory_space<vmem>> -> memref<1x104xi32, #tpu.memory_space<vmem>>
    %dma_start3A_56 = tpu.memref_squeeze %dma_start3A_55 : memref<1x104xi32, #tpu.memory_space<vmem>> -> memref<104xi32, #tpu.memory_space<vmem>>
    %dma_start3A_57 = arith.constant 0 : i32
    %dma_start3A_58 = arith.constant 0 : i32
    %dma_start3A_59 = tpu.memref_slice %arg2[%dma_start3A_57, %dma_start3A_58] : memref<100001x128xf32, #tpu.memory_space<hbm>> -> memref<100001x128xf32, #tpu.memory_space<hbm>>
    %dma_start3A_60 = tpu.memref_slice %arg7[%dma_start3A_49] : memref<8x!tpu.dma_semaphore, #tpu.memory_space<semaphore_mem>> -> memref<1x!tpu.dma_semaphore, #tpu.memory_space<semaphore_mem>>
    %dma_start3A_61 = tpu.memref_squeeze %dma_start3A_60 : memref<1x!tpu.dma_semaphore, #tpu.memory_space<semaphore_mem>> -> memref<!tpu.dma_semaphore, #tpu.memory_space<semaphore_mem>>
    tpu.enqueue_indirect_dma source(%dma_start3A_59 : memref<100001x128xf32, #tpu.memory_space<hbm>>) target(%dma_start3A_53 : memref<104x128xf32, #tpu.memory_space<vmem>>) offsets(%dma_start3A_56 : memref<104xi32, #tpu.memory_space<vmem>>) semaphore(%dma_start3A_61 : memref<!tpu.dma_semaphore, #tpu.memory_space<semaphore_mem>>)
    %dma_wait3A = arith.constant 0 : i32
    %dma_wait3A_62 = arith.constant 0 : i32
    %dma_wait3A_63 = arith.constant 0 : i32
    %dma_wait3A_64 = arith.constant 0 : i32
    %dma_wait3A_65 = tpu.memref_slice %arg6[%dma_wait3A, %dma_wait3A_63, %dma_wait3A_64] : memref<8x104x128xf32, #tpu.memory_space<vmem>> -> memref<1x104x128xf32, #tpu.memory_space<vmem>>
    %dma_wait3A_66 = tpu.memref_squeeze %dma_wait3A_65 : memref<1x104x128xf32, #tpu.memory_space<vmem>> -> memref<104x128xf32, #tpu.memory_space<vmem>>
    %dma_wait3A_67 = arith.constant 0 : i32
    %dma_wait3A_68 = arith.constant 0 : i32
    %dma_wait3A_69 = tpu.memref_slice %arg2[%dma_wait3A_67, %dma_wait3A_68] : memref<100001x128xf32, #tpu.memory_space<hbm>> -> memref<104x128xf32, #tpu.memory_space<hbm>>
    %dma_wait3A_70 = tpu.memref_slice %arg7[%dma_wait3A_62] : memref<8x!tpu.dma_semaphore, #tpu.memory_space<semaphore_mem>> -> memref<1x!tpu.dma_semaphore, #tpu.memory_space<semaphore_mem>>
    %dma_wait3A_71 = tpu.memref_squeeze %dma_wait3A_70 : memref<1x!tpu.dma_semaphore, #tpu.memory_space<semaphore_mem>> -> memref<!tpu.dma_semaphore, #tpu.memory_space<semaphore_mem>>
    %dma_wait3A_72 = arith.constant 0 : i32
    %dma_wait3A_73 = arith.constant 0 : i32
    %dma_wait3A_74 = tpu.memref_slice %arg6[%dma_wait3A, %dma_wait3A_72, %dma_wait3A_73] : memref<8x104x128xf32, #tpu.memory_space<vmem>> -> memref<1x104x128xf32, #tpu.memory_space<vmem>>
    %dma_wait3A_75 = tpu.memref_squeeze %dma_wait3A_74 : memref<1x104x128xf32, #tpu.memory_space<vmem>> -> memref<104x128xf32, #tpu.memory_space<vmem>>
    %dma_wait3A_76 = arith.constant 0 : i32
    %dma_wait3A_77 = arith.constant 0 : i32
    %dma_wait3A_78 = tpu.memref_slice %arg2[%dma_wait3A_76, %dma_wait3A_77] : memref<100001x128xf32, #tpu.memory_space<hbm>> -> memref<104x128xf32, #tpu.memory_space<hbm>>
    tpu.wait_dma2 semaphore(%dma_wait3A_71 : memref<!tpu.dma_semaphore, #tpu.memory_space<semaphore_mem>>) src(%dma_wait3A_78 : memref<104x128xf32, #tpu.memory_space<hbm>>) dst(%dma_wait3A_75 : memref<104x128xf32, #tpu.memory_space<vmem>>)
    %add3A_79 = arith.constant 0 : i32
    %add3A_80 = arith.addi %mul3A_2, %add3A_79 : i32
    %dma_start3A_81 = arith.constant 0 : i32
    %dma_start3A_82 = arith.constant 0 : i32
    %dma_start3A_83 = arith.constant 0 : i32
    %dma_start3A_84 = arith.constant 0 : i32
    %dma_start3A_85 = tpu.memref_slice %arg6[%dma_start3A_81, %dma_start3A_83, %dma_start3A_84] : memref<8x104x128xf32, #tpu.memory_space<vmem>> -> memref<1x104x128xf32, #tpu.memory_space<vmem>>
    %dma_start3A_86 = tpu.memref_squeeze %dma_start3A_85 : memref<1x104x128xf32, #tpu.memory_space<vmem>> -> memref<104x128xf32, #tpu.memory_space<vmem>>
    %dma_start3A_87 = arith.constant 0 : i32
    %dma_start3A_88 = tpu.memref_slice %arg4[%add3A_80, %dma_start3A_87] : memref<106496x128xf32, #tpu.memory_space<hbm>> -> memref<104x128xf32, #tpu.memory_space<hbm>>
    %dma_start3A_89 = tpu.memref_slice %arg8[%dma_start3A_82] : memref<8x!tpu.dma_semaphore, #tpu.memory_space<semaphore_mem>> -> memref<1x!tpu.dma_semaphore, #tpu.memory_space<semaphore_mem>>
    %dma_start3A_90 = tpu.memref_squeeze %dma_start3A_89 : memref<1x!tpu.dma_semaphore, #tpu.memory_space<semaphore_mem>> -> memref<!tpu.dma_semaphore, #tpu.memory_space<semaphore_mem>>
    %dma_start3A_91 = arith.constant 0 : i32
    %dma_start3A_92 = tpu.memref_slice %arg4[%add3A_80, %dma_start3A_91] : memref<106496x128xf32, #tpu.memory_space<hbm>> -> memref<104x128xf32, #tpu.memory_space<hbm>>
    %dma_start3A_93 = arith.constant 0 : i32
    %dma_start3A_94 = arith.constant 0 : i32
    %dma_start3A_95 = tpu.memref_slice %arg6[%dma_start3A_81, %dma_start3A_93, %dma_start3A_94] : memref<8x104x128xf32, #tpu.memory_space<vmem>> -> memref<1x104x128xf32, #tpu.memory_space<vmem>>
    %dma_start3A_96 = tpu.memref_squeeze %dma_start3A_95 : memref<1x104x128xf32, #tpu.memory_space<vmem>> -> memref<104x128xf32, #tpu.memory_space<vmem>>
    tpu.enqueue_dma source(%dma_start3A_96 : memref<104x128xf32, #tpu.memory_space<vmem>>) target(%dma_start3A_92 : memref<104x128xf32, #tpu.memory_space<hbm>>) target_semaphore(%dma_start3A_90 : memref<!tpu.dma_semaphore, #tpu.memory_space<semaphore_mem>>)
    %dma_start3A_97 = arith.constant 4 : i32
    %dma_start3A_98 = arith.constant 4 : i32
    %dma_start3A_99 = arith.constant 4 : i32
    %dma_start3A_100 = arith.constant 0 : i32
    %dma_start3A_101 = arith.constant 0 : i32
    %dma_start3A_102 = tpu.memref_slice %arg6[%dma_start3A_98, %dma_start3A_100, %dma_start3A_101] : memref<8x104x128xf32, #tpu.memory_space<vmem>> -> memref<1x104x128xf32, #tpu.memory_space<vmem>>
    %dma_start3A_103 = tpu.memref_squeeze %dma_start3A_102 : memref<1x104x128xf32, #tpu.memory_space<vmem>> -> memref<104x128xf32, #tpu.memory_space<vmem>>
    %dma_start3A_104 = arith.constant 0 : i32
    %dma_start3A_105 = tpu.memref_slice %arg5[%dma_start3A_97, %dma_start3A_104] : memref<32x104xi32, #tpu.memory_space<vmem>> -> memref<1x104xi32, #tpu.memory_space<vmem>>
    %dma_start3A_106 = tpu.memref_squeeze %dma_start3A_105 : memref<1x104xi32, #tpu.memory_space<vmem>> -> memref<104xi32, #tpu.memory_space<vmem>>
    %dma_start3A_107 = arith.constant 0 : i32
    %dma_start3A_108 = arith.constant 0 : i32
    %dma_start3A_109 = tpu.memref_slice %arg2[%dma_start3A_107, %dma_start3A_108] : memref<100001x128xf32, #tpu.memory_space<hbm>> -> memref<100001x128xf32, #tpu.memory_space<hbm>>
    %dma_start3A_110 = tpu.memref_slice %arg7[%dma_start3A_99] : memref<8x!tpu.dma_semaphore, #tpu.memory_space<semaphore_mem>> -> memref<1x!tpu.dma_semaphore, #tpu.memory_space<semaphore_mem>>
    %dma_start3A_111 = tpu.memref_squeeze %dma_start3A_110 : memref<1x!tpu.dma_semaphore, #tpu.memory_space<semaphore_mem>> -> memref<!tpu.dma_semaphore, #tpu.memory_space<semaphore_mem>>
    tpu.enqueue_indirect_dma source(%dma_start3A_109 : memref<100001x128xf32, #tpu.memory_space<hbm>>) target(%dma_start3A_103 : memref<104x128xf32, #tpu.memory_space<vmem>>) offsets(%dma_start3A_106 : memref<104xi32, #tpu.memory_space<vmem>>) semaphore(%dma_start3A_111 : memref<!tpu.dma_semaphore, #tpu.memory_space<semaphore_mem>>)
    %dma_wait3A_112 = arith.constant 1 : i32
    %dma_wait3A_113 = arith.constant 1 : i32
    %dma_wait3A_114 = arith.constant 0 : i32
    %dma_wait3A_115 = arith.constant 0 : i32
    %dma_wait3A_116 = tpu.memref_slice %arg6[%dma_wait3A_112, %dma_wait3A_114, %dma_wait3A_115] : memref<8x104x128xf32, #tpu.memory_space<vmem>> -> memref<1x104x128xf32, #tpu.memory_space<vmem>>
    %dma_wait3A_117 = tpu.memref_squeeze %dma_wait3A_116 : memref<1x104x128xf32, #tpu.memory_space<vmem>> -> memref<104x128xf32, #tpu.memory_space<vmem>>
    %dma_wait3A_118 = arith.constant 0 : i32
    %dma_wait3A_119 = arith.constant 0 : i32
    %dma_wait3A_120 = tpu.memref_slice %arg2[%dma_wait3A_118, %dma_wait3A_119] : memref<100001x128xf32, #tpu.memory_space<hbm>> -> memref<104x128xf32, #tpu.memory_space<hbm>>
    %dma_wait3A_121 = tpu.memref_slice %arg7[%dma_wait3A_113] : memref<8x!tpu.dma_semaphore, #tpu.memory_space<semaphore_mem>> -> memref<1x!tpu.dma_semaphore, #tpu.memory_space<semaphore_mem>>
    %dma_wait3A_122 = tpu.memref_squeeze %dma_wait3A_121 : memref<1x!tpu.dma_semaphore, #tpu.memory_space<semaphore_mem>> -> memref<!tpu.dma_semaphore, #tpu.memory_space<semaphore_mem>>
    %dma_wait3A_123 = arith.constant 0 : i32
    %dma_wait3A_124 = arith.constant 0 : i32
    %dma_wait3A_125 = tpu.memref_slice %arg6[%dma_wait3A_112, %dma_wait3A_123, %dma_wait3A_124] : memref<8x104x128xf32, #tpu.memory_space<vmem>> -> memref<1x104x128xf32, #tpu.memory_space<vmem>>
    %dma_wait3A_126 = tpu.memref_squeeze %dma_wait3A_125 : memref<1x104x128xf32, #tpu.memory_space<vmem>> -> memref<104x128xf32, #tpu.memory_space<vmem>>
    %dma_wait3A_127 = arith.constant 0 : i32
    %dma_wait3A_128 = arith.constant 0 : i32
    %dma_wait3A_129 = tpu.memref_slice %arg2[%dma_wait3A_127, %dma_wait3A_128] : memref<100001x128xf32, #tpu.memory_space<hbm>> -> memref<104x128xf32, #tpu.memory_space<hbm>>
    tpu.wait_dma2 semaphore(%dma_wait3A_122 : memref<!tpu.dma_semaphore, #tpu.memory_space<semaphore_mem>>) src(%dma_wait3A_129 : memref<104x128xf32, #tpu.memory_space<hbm>>) dst(%dma_wait3A_126 : memref<104x128xf32, #tpu.memory_space<vmem>>)
    %add3A_130 = arith.constant 104 : i32
    %add3A_131 = arith.addi %mul3A_2, %add3A_130 : i32
    %dma_start3A_132 = arith.constant 1 : i32
    %dma_start3A_133 = arith.constant 1 : i32
    %dma_start3A_134 = arith.constant 0 : i32
    %dma_start3A_135 = arith.constant 0 : i32
    %dma_start3A_136 = tpu.memref_slice %arg6[%dma_start3A_132, %dma_start3A_134, %dma_start3A_135] : memref<8x104x128xf32, #tpu.memory_space<vmem>> -> memref<1x104x128xf32, #tpu.memory_space<vmem>>
    %dma_start3A_137 = tpu.memref_squeeze %dma_start3A_136 : memref<1x104x128xf32, #tpu.memory_space<vmem>> -> memref<104x128xf32, #tpu.memory_space<vmem>>
    %dma_start3A_138 = arith.constant 0 : i32
    %dma_start3A_139 = tpu.memref_slice %arg4[%add3A_131, %dma_start3A_138] : memref<106496x128xf32, #tpu.memory_space<hbm>> -> memref<104x128xf32, #tpu.memory_space<hbm>>
    %dma_start3A_140 = tpu.memref_slice %arg8[%dma_start3A_133] : memref<8x!tpu.dma_semaphore, #tpu.memory_space<semaphore_mem>> -> memref<1x!tpu.dma_semaphore, #tpu.memory_space<semaphore_mem>>
    %dma_start3A_141 = tpu.memref_squeeze %dma_start3A_140 : memref<1x!tpu.dma_semaphore, #tpu.memory_space<semaphore_mem>> -> memref<!tpu.dma_semaphore, #tpu.memory_space<semaphore_mem>>
    %dma_start3A_142 = arith.constant 0 : i32
    %dma_start3A_143 = tpu.memref_slice %arg4[%add3A_131, %dma_start3A_142] : memref<106496x128xf32, #tpu.memory_space<hbm>> -> memref<104x128xf32, #tpu.memory_space<hbm>>
    %dma_start3A_144 = arith.constant 0 : i32
    %dma_start3A_145 = arith.constant 0 : i32
    %dma_start3A_146 = tpu.memref_slice %arg6[%dma_start3A_132, %dma_start3A_144, %dma_start3A_145] : memref<8x104x128xf32, #tpu.memory_space<vmem>> -> memref<1x104x128xf32, #tpu.memory_space<vmem>>
    %dma_start3A_147 = tpu.memref_squeeze %dma_start3A_146 : memref<1x104x128xf32, #tpu.memory_space<vmem>> -> memref<104x128xf32, #tpu.memory_space<vmem>>
    tpu.enqueue_dma source(%dma_start3A_147 : memref<104x128xf32, #tpu.memory_space<vmem>>) target(%dma_start3A_143 : memref<104x128xf32, #tpu.memory_space<hbm>>) target_semaphore(%dma_start3A_141 : memref<!tpu.dma_semaphore, #tpu.memory_space<semaphore_mem>>)
    %dma_start3A_148 = arith.constant 5 : i32
    %dma_start3A_149 = arith.constant 5 : i32
    %dma_start3A_150 = arith.constant 5 : i32
    %dma_start3A_151 = arith.constant 0 : i32
    %dma_start3A_152 = arith.constant 0 : i32
    %dma_start3A_153 = tpu.memref_slice %arg6[%dma_start3A_149, %dma_start3A_151, %dma_start3A_152] : memref<8x104x128xf32, #tpu.memory_space<vmem>> -> memref<1x104x128xf32, #tpu.memory_space<vmem>>
    %dma_start3A_154 = tpu.memref_squeeze %dma_start3A_153 : memref<1x104x128xf32, #tpu.memory_space<vmem>> -> memref<104x128xf32, #tpu.memory_space<vmem>>
    %dma_start3A_155 = arith.constant 0 : i32
    %dma_start3A_156 = tpu.memref_slice %arg5[%dma_start3A_148, %dma_start3A_155] : memref<32x104xi32, #tpu.memory_space<vmem>> -> memref<1x104xi32, #tpu.memory_space<vmem>>
    %dma_start3A_157 = tpu.memref_squeeze %dma_start3A_156 : memref<1x104xi32, #tpu.memory_space<vmem>> -> memref<104xi32, #tpu.memory_space<vmem>>
    %dma_start3A_158 = arith.constant 0 : i32
    %dma_start3A_159 = arith.constant 0 : i32
    %dma_start3A_160 = tpu.memref_slice %arg2[%dma_start3A_158, %dma_start3A_159] : memref<100001x128xf32, #tpu.memory_space<hbm>> -> memref<100001x128xf32, #tpu.memory_space<hbm>>
    %dma_start3A_161 = tpu.memref_slice %arg7[%dma_start3A_150] : memref<8x!tpu.dma_semaphore, #tpu.memory_space<semaphore_mem>> -> memref<1x!tpu.dma_semaphore, #tpu.memory_space<semaphore_mem>>
    %dma_start3A_162 = tpu.memref_squeeze %dma_start3A_161 : memref<1x!tpu.dma_semaphore, #tpu.memory_space<semaphore_mem>> -> memref<!tpu.dma_semaphore, #tpu.memory_space<semaphore_mem>>
    tpu.enqueue_indirect_dma source(%dma_start3A_160 : memref<100001x128xf32, #tpu.memory_space<hbm>>) target(%dma_start3A_154 : memref<104x128xf32, #tpu.memory_space<vmem>>) offsets(%dma_start3A_157 : memref<104xi32, #tpu.memory_space<vmem>>) semaphore(%dma_start3A_162 : memref<!tpu.dma_semaphore, #tpu.memory_space<semaphore_mem>>)
    %dma_wait3A_163 = arith.constant 2 : i32
    %dma_wait3A_164 = arith.constant 2 : i32
    %dma_wait3A_165 = arith.constant 0 : i32
    %dma_wait3A_166 = arith.constant 0 : i32
    %dma_wait3A_167 = tpu.memref_slice %arg6[%dma_wait3A_163, %dma_wait3A_165, %dma_wait3A_166] : memref<8x104x128xf32, #tpu.memory_space<vmem>> -> memref<1x104x128xf32, #tpu.memory_space<vmem>>
    %dma_wait3A_168 = tpu.memref_squeeze %dma_wait3A_167 : memref<1x104x128xf32, #tpu.memory_space<vmem>> -> memref<104x128xf32, #tpu.memory_space<vmem>>
    %dma_wait3A_169 = arith.constant 0 : i32
    %dma_wait3A_170 = arith.constant 0 : i32
    %dma_wait3A_171 = tpu.memref_slice %arg2[%dma_wait3A_169, %dma_wait3A_170] : memref<100001x128xf32, #tpu.memory_space<hbm>> -> memref<104x128xf32, #tpu.memory_space<hbm>>
    %dma_wait3A_172 = tpu.memref_slice %arg7[%dma_wait3A_164] : memref<8x!tpu.dma_semaphore, #tpu.memory_space<semaphore_mem>> -> memref<1x!tpu.dma_semaphore, #tpu.memory_space<semaphore_mem>>
    %dma_wait3A_173 = tpu.memref_squeeze %dma_wait3A_172 : memref<1x!tpu.dma_semaphore, #tpu.memory_space<semaphore_mem>> -> memref<!tpu.dma_semaphore, #tpu.memory_space<semaphore_mem>>
    %dma_wait3A_174 = arith.constant 0 : i32
    %dma_wait3A_175 = arith.constant 0 : i32
    %dma_wait3A_176 = tpu.memref_slice %arg6[%dma_wait3A_163, %dma_wait3A_174, %dma_wait3A_175] : memref<8x104x128xf32, #tpu.memory_space<vmem>> -> memref<1x104x128xf32, #tpu.memory_space<vmem>>
    %dma_wait3A_177 = tpu.memref_squeeze %dma_wait3A_176 : memref<1x104x128xf32, #tpu.memory_space<vmem>> -> memref<104x128xf32, #tpu.memory_space<vmem>>
    %dma_wait3A_178 = arith.constant 0 : i32
    %dma_wait3A_179 = arith.constant 0 : i32
    %dma_wait3A_180 = tpu.memref_slice %arg2[%dma_wait3A_178, %dma_wait3A_179] : memref<100001x128xf32, #tpu.memory_space<hbm>> -> memref<104x128xf32, #tpu.memory_space<hbm>>
    tpu.wait_dma2 semaphore(%dma_wait3A_173 : memref<!tpu.dma_semaphore, #tpu.memory_space<semaphore_mem>>) src(%dma_wait3A_180 : memref<104x128xf32, #tpu.memory_space<hbm>>) dst(%dma_wait3A_177 : memref<104x128xf32, #tpu.memory_space<vmem>>)
    %add3A_181 = arith.constant 208 : i32
    %add3A_182 = arith.addi %mul3A_2, %add3A_181 : i32
    %dma_start3A_183 = arith.constant 2 : i32
    %dma_start3A_184 = arith.constant 2 : i32
    %dma_start3A_185 = arith.constant 0 : i32
    %dma_start3A_186 = arith.constant 0 : i32
    %dma_start3A_187 = tpu.memref_slice %arg6[%dma_start3A_183, %dma_start3A_185, %dma_start3A_186] : memref<8x104x128xf32, #tpu.memory_space<vmem>> -> memref<1x104x128xf32, #tpu.memory_space<vmem>>
    %dma_start3A_188 = tpu.memref_squeeze %dma_start3A_187 : memref<1x104x128xf32, #tpu.memory_space<vmem>> -> memref<104x128xf32, #tpu.memory_space<vmem>>
    %dma_start3A_189 = arith.constant 0 : i32
    %dma_start3A_190 = tpu.memref_slice %arg4[%add3A_182, %dma_start3A_189] : memref<106496x128xf32, #tpu.memory_space<hbm>> -> memref<104x128xf32, #tpu.memory_space<hbm>>
    %dma_start3A_191 = tpu.memref_slice %arg8[%dma_start3A_184] : memref<8x!tpu.dma_semaphore, #tpu.memory_space<semaphore_mem>> -> memref<1x!tpu.dma_semaphore, #tpu.memory_space<semaphore_mem>>
    %dma_start3A_192 = tpu.memref_squeeze %dma_start3A_191 : memref<1x!tpu.dma_semaphore, #tpu.memory_space<semaphore_mem>> -> memref<!tpu.dma_semaphore, #tpu.memory_space<semaphore_mem>>
    %dma_start3A_193 = arith.constant 0 : i32
    %dma_start3A_194 = tpu.memref_slice %arg4[%add3A_182, %dma_start3A_193] : memref<106496x128xf32, #tpu.memory_space<hbm>> -> memref<104x128xf32, #tpu.memory_space<hbm>>
    %dma_start3A_195 = arith.constant 0 : i32
    %dma_start3A_196 = arith.constant 0 : i32
    %dma_start3A_197 = tpu.memref_slice %arg6[%dma_start3A_183, %dma_start3A_195, %dma_start3A_196] : memref<8x104x128xf32, #tpu.memory_space<vmem>> -> memref<1x104x128xf32, #tpu.memory_space<vmem>>
    %dma_start3A_198 = tpu.memref_squeeze %dma_start3A_197 : memref<1x104x128xf32, #tpu.memory_space<vmem>> -> memref<104x128xf32, #tpu.memory_space<vmem>>
    tpu.enqueue_dma source(%dma_start3A_198 : memref<104x128xf32, #tpu.memory_space<vmem>>) target(%dma_start3A_194 : memref<104x128xf32, #tpu.memory_space<hbm>>) target_semaphore(%dma_start3A_192 : memref<!tpu.dma_semaphore, #tpu.memory_space<semaphore_mem>>)
    %dma_start3A_199 = arith.constant 6 : i32
    %dma_start3A_200 = arith.constant 6 : i32
    %dma_start3A_201 = arith.constant 6 : i32
    %dma_start3A_202 = arith.constant 0 : i32
    %dma_start3A_203 = arith.constant 0 : i32
    %dma_start3A_204 = tpu.memref_slice %arg6[%dma_start3A_200, %dma_start3A_202, %dma_start3A_203] : memref<8x104x128xf32, #tpu.memory_space<vmem>> -> memref<1x104x128xf32, #tpu.memory_space<vmem>>
    %dma_start3A_205 = tpu.memref_squeeze %dma_start3A_204 : memref<1x104x128xf32, #tpu.memory_space<vmem>> -> memref<104x128xf32, #tpu.memory_space<vmem>>
    %dma_start3A_206 = arith.constant 0 : i32
    %dma_start3A_207 = tpu.memref_slice %arg5[%dma_start3A_199, %dma_start3A_206] : memref<32x104xi32, #tpu.memory_space<vmem>> -> memref<1x104xi32, #tpu.memory_space<vmem>>
    %dma_start3A_208 = tpu.memref_squeeze %dma_start3A_207 : memref<1x104xi32, #tpu.memory_space<vmem>> -> memref<104xi32, #tpu.memory_space<vmem>>
    %dma_start3A_209 = arith.constant 0 : i32
    %dma_start3A_210 = arith.constant 0 : i32
    %dma_start3A_211 = tpu.memref_slice %arg2[%dma_start3A_209, %dma_start3A_210] : memref<100001x128xf32, #tpu.memory_space<hbm>> -> memref<100001x128xf32, #tpu.memory_space<hbm>>
    %dma_start3A_212 = tpu.memref_slice %arg7[%dma_start3A_201] : memref<8x!tpu.dma_semaphore, #tpu.memory_space<semaphore_mem>> -> memref<1x!tpu.dma_semaphore, #tpu.memory_space<semaphore_mem>>
    %dma_start3A_213 = tpu.memref_squeeze %dma_start3A_212 : memref<1x!tpu.dma_semaphore, #tpu.memory_space<semaphore_mem>> -> memref<!tpu.dma_semaphore, #tpu.memory_space<semaphore_mem>>
    tpu.enqueue_indirect_dma source(%dma_start3A_211 : memref<100001x128xf32, #tpu.memory_space<hbm>>) target(%dma_start3A_205 : memref<104x128xf32, #tpu.memory_space<vmem>>) offsets(%dma_start3A_208 : memref<104xi32, #tpu.memory_space<vmem>>) semaphore(%dma_start3A_213 : memref<!tpu.dma_semaphore, #tpu.memory_space<semaphore_mem>>)
    %dma_wait3A_214 = arith.constant 3 : i32
    %dma_wait3A_215 = arith.constant 3 : i32
    %dma_wait3A_216 = arith.constant 0 : i32
    %dma_wait3A_217 = arith.constant 0 : i32
    %dma_wait3A_218 = tpu.memref_slice %arg6[%dma_wait3A_214, %dma_wait3A_216, %dma_wait3A_217] : memref<8x104x128xf32, #tpu.memory_space<vmem>> -> memref<1x104x128xf32, #tpu.memory_space<vmem>>
    %dma_wait3A_219 = tpu.memref_squeeze %dma_wait3A_218 : memref<1x104x128xf32, #tpu.memory_space<vmem>> -> memref<104x128xf32, #tpu.memory_space<vmem>>
    %dma_wait3A_220 = arith.constant 0 : i32
    %dma_wait3A_221 = arith.constant 0 : i32
    %dma_wait3A_222 = tpu.memref_slice %arg2[%dma_wait3A_220, %dma_wait3A_221] : memref<100001x128xf32, #tpu.memory_space<hbm>> -> memref<104x128xf32, #tpu.memory_space<hbm>>
    %dma_wait3A_223 = tpu.memref_slice %arg7[%dma_wait3A_215] : memref<8x!tpu.dma_semaphore, #tpu.memory_space<semaphore_mem>> -> memref<1x!tpu.dma_semaphore, #tpu.memory_space<semaphore_mem>>
    %dma_wait3A_224 = tpu.memref_squeeze %dma_wait3A_223 : memref<1x!tpu.dma_semaphore, #tpu.memory_space<semaphore_mem>> -> memref<!tpu.dma_semaphore, #tpu.memory_space<semaphore_mem>>
    %dma_wait3A_225 = arith.constant 0 : i32
    %dma_wait3A_226 = arith.constant 0 : i32
    %dma_wait3A_227 = tpu.memref_slice %arg6[%dma_wait3A_214, %dma_wait3A_225, %dma_wait3A_226] : memref<8x104x128xf32, #tpu.memory_space<vmem>> -> memref<1x104x128xf32, #tpu.memory_space<vmem>>
    %dma_wait3A_228 = tpu.memref_squeeze %dma_wait3A_227 : memref<1x104x128xf32, #tpu.memory_space<vmem>> -> memref<104x128xf32, #tpu.memory_space<vmem>>
    %dma_wait3A_229 = arith.constant 0 : i32
    %dma_wait3A_230 = arith.constant 0 : i32
    %dma_wait3A_231 = tpu.memref_slice %arg2[%dma_wait3A_229, %dma_wait3A_230] : memref<100001x128xf32, #tpu.memory_space<hbm>> -> memref<104x128xf32, #tpu.memory_space<hbm>>
    tpu.wait_dma2 semaphore(%dma_wait3A_224 : memref<!tpu.dma_semaphore, #tpu.memory_space<semaphore_mem>>) src(%dma_wait3A_231 : memref<104x128xf32, #tpu.memory_space<hbm>>) dst(%dma_wait3A_228 : memref<104x128xf32, #tpu.memory_space<vmem>>)
    %add3A_232 = arith.constant 312 : i32
    %add3A_233 = arith.addi %mul3A_2, %add3A_232 : i32
    %dma_start3A_234 = arith.constant 3 : i32
    %dma_start3A_235 = arith.constant 3 : i32
    %dma_start3A_236 = arith.constant 0 : i32
    %dma_start3A_237 = arith.constant 0 : i32
    %dma_start3A_238 = tpu.memref_slice %arg6[%dma_start3A_234, %dma_start3A_236, %dma_start3A_237] : memref<8x104x128xf32, #tpu.memory_space<vmem>> -> memref<1x104x128xf32, #tpu.memory_space<vmem>>
    %dma_start3A_239 = tpu.memref_squeeze %dma_start3A_238 : memref<1x104x128xf32, #tpu.memory_space<vmem>> -> memref<104x128xf32, #tpu.memory_space<vmem>>
    %dma_start3A_240 = arith.constant 0 : i32
    %dma_start3A_241 = tpu.memref_slice %arg4[%add3A_233, %dma_start3A_240] : memref<106496x128xf32, #tpu.memory_space<hbm>> -> memref<104x128xf32, #tpu.memory_space<hbm>>
    %dma_start3A_242 = tpu.memref_slice %arg8[%dma_start3A_235] : memref<8x!tpu.dma_semaphore, #tpu.memory_space<semaphore_mem>> -> memref<1x!tpu.dma_semaphore, #tpu.memory_space<semaphore_mem>>
    %dma_start3A_243 = tpu.memref_squeeze %dma_start3A_242 : memref<1x!tpu.dma_semaphore, #tpu.memory_space<semaphore_mem>> -> memref<!tpu.dma_semaphore, #tpu.memory_space<semaphore_mem>>
    %dma_start3A_244 = arith.constant 0 : i32
    %dma_start3A_245 = tpu.memref_slice %arg4[%add3A_233, %dma_start3A_244] : memref<106496x128xf32, #tpu.memory_space<hbm>> -> memref<104x128xf32, #tpu.memory_space<hbm>>
    %dma_start3A_246 = arith.constant 0 : i32
    %dma_start3A_247 = arith.constant 0 : i32
    %dma_start3A_248 = tpu.memref_slice %arg6[%dma_start3A_234, %dma_start3A_246, %dma_start3A_247] : memref<8x104x128xf32, #tpu.memory_space<vmem>> -> memref<1x104x128xf32, #tpu.memory_space<vmem>>
    %dma_start3A_249 = tpu.memref_squeeze %dma_start3A_248 : memref<1x104x128xf32, #tpu.memory_space<vmem>> -> memref<104x128xf32, #tpu.memory_space<vmem>>
    tpu.enqueue_dma source(%dma_start3A_249 : memref<104x128xf32, #tpu.memory_space<vmem>>) target(%dma_start3A_245 : memref<104x128xf32, #tpu.memory_space<hbm>>) target_semaphore(%dma_start3A_243 : memref<!tpu.dma_semaphore, #tpu.memory_space<semaphore_mem>>)
    %dma_start3A_250 = arith.constant 7 : i32
    %dma_start3A_251 = arith.constant 7 : i32
    %dma_start3A_252 = arith.constant 7 : i32
    %dma_start3A_253 = arith.constant 0 : i32
    %dma_start3A_254 = arith.constant 0 : i32
    %dma_start3A_255 = tpu.memref_slice %arg6[%dma_start3A_251, %dma_start3A_253, %dma_start3A_254] : memref<8x104x128xf32, #tpu.memory_space<vmem>> -> memref<1x104x128xf32, #tpu.memory_space<vmem>>
    %dma_start3A_256 = tpu.memref_squeeze %dma_start3A_255 : memref<1x104x128xf32, #tpu.memory_space<vmem>> -> memref<104x128xf32, #tpu.memory_space<vmem>>
    %dma_start3A_257 = arith.constant 0 : i32
    %dma_start3A_258 = tpu.memref_slice %arg5[%dma_start3A_250, %dma_start3A_257] : memref<32x104xi32, #tpu.memory_space<vmem>> -> memref<1x104xi32, #tpu.memory_space<vmem>>
    %dma_start3A_259 = tpu.memref_squeeze %dma_start3A_258 : memref<1x104xi32, #tpu.memory_space<vmem>> -> memref<104xi32, #tpu.memory_space<vmem>>
    %dma_start3A_260 = arith.constant 0 : i32
    %dma_start3A_261 = arith.constant 0 : i32
    %dma_start3A_262 = tpu.memref_slice %arg2[%dma_start3A_260, %dma_start3A_261] : memref<100001x128xf32, #tpu.memory_space<hbm>> -> memref<100001x128xf32, #tpu.memory_space<hbm>>
    %dma_start3A_263 = tpu.memref_slice %arg7[%dma_start3A_252] : memref<8x!tpu.dma_semaphore, #tpu.memory_space<semaphore_mem>> -> memref<1x!tpu.dma_semaphore, #tpu.memory_space<semaphore_mem>>
    %dma_start3A_264 = tpu.memref_squeeze %dma_start3A_263 : memref<1x!tpu.dma_semaphore, #tpu.memory_space<semaphore_mem>> -> memref<!tpu.dma_semaphore, #tpu.memory_space<semaphore_mem>>
    tpu.enqueue_indirect_dma source(%dma_start3A_262 : memref<100001x128xf32, #tpu.memory_space<hbm>>) target(%dma_start3A_256 : memref<104x128xf32, #tpu.memory_space<vmem>>) offsets(%dma_start3A_259 : memref<104xi32, #tpu.memory_space<vmem>>) semaphore(%dma_start3A_264 : memref<!tpu.dma_semaphore, #tpu.memory_space<semaphore_mem>>)
    %scan3A = arith.constant 0 : i32
    %scan3A_265 = arith.constant 0 : i32
    %scan3A_266 = arith.constant 3 : i32
    %scan3A_267 = arith.addi %scan3A_265, %scan3A_266 : i32
    %scan3A_268 = arith.constant 1 : i32
    scf.for %scan3A_558 = %scan3A_265 to %scan3A_267 step %scan3A_268  : i32 {
      %mul3A_559 = arith.constant 8 : i32
      %mul3A_560 = arith.muli %scan3A_558, %mul3A_559 : i32
      %add3A_561 = arith.constant 4 : i32
      %add3A_562 = arith.addi %add3A_561, %mul3A_560 : i32
      %add3A_563 = arith.constant 0 : i32
      %add3A_564 = arith.addi %add3A_562, %add3A_563 : i32
      %dma_wait3A_565 = arith.constant 4 : i32
      %dma_wait3A_566 = arith.constant 4 : i32
      %dma_wait3A_567 = arith.constant 0 : i32
      %dma_wait3A_568 = arith.constant 0 : i32
      %dma_wait3A_569 = tpu.memref_slice %arg6[%dma_wait3A_565, %dma_wait3A_567, %dma_wait3A_568] : memref<8x104x128xf32, #tpu.memory_space<vmem>> -> memref<1x104x128xf32, #tpu.memory_space<vmem>>
      %dma_wait3A_570 = tpu.memref_squeeze %dma_wait3A_569 : memref<1x104x128xf32, #tpu.memory_space<vmem>> -> memref<104x128xf32, #tpu.memory_space<vmem>>
      %dma_wait3A_571 = arith.constant 0 : i32
      %dma_wait3A_572 = arith.constant 0 : i32
      %dma_wait3A_573 = tpu.memref_slice %arg2[%dma_wait3A_571, %dma_wait3A_572] : memref<100001x128xf32, #tpu.memory_space<hbm>> -> memref<104x128xf32, #tpu.memory_space<hbm>>
      %dma_wait3A_574 = tpu.memref_slice %arg7[%dma_wait3A_566] : memref<8x!tpu.dma_semaphore, #tpu.memory_space<semaphore_mem>> -> memref<1x!tpu.dma_semaphore, #tpu.memory_space<semaphore_mem>>
      %dma_wait3A_575 = tpu.memref_squeeze %dma_wait3A_574 : memref<1x!tpu.dma_semaphore, #tpu.memory_space<semaphore_mem>> -> memref<!tpu.dma_semaphore, #tpu.memory_space<semaphore_mem>>
      %dma_wait3A_576 = arith.constant 0 : i32
      %dma_wait3A_577 = arith.constant 0 : i32
      %dma_wait3A_578 = tpu.memref_slice %arg6[%dma_wait3A_565, %dma_wait3A_576, %dma_wait3A_577] : memref<8x104x128xf32, #tpu.memory_space<vmem>> -> memref<1x104x128xf32, #tpu.memory_space<vmem>>
      %dma_wait3A_579 = tpu.memref_squeeze %dma_wait3A_578 : memref<1x104x128xf32, #tpu.memory_space<vmem>> -> memref<104x128xf32, #tpu.memory_space<vmem>>
      %dma_wait3A_580 = arith.constant 0 : i32
      %dma_wait3A_581 = arith.constant 0 : i32
      %dma_wait3A_582 = tpu.memref_slice %arg2[%dma_wait3A_580, %dma_wait3A_581] : memref<100001x128xf32, #tpu.memory_space<hbm>> -> memref<104x128xf32, #tpu.memory_space<hbm>>
      tpu.wait_dma2 semaphore(%dma_wait3A_575 : memref<!tpu.dma_semaphore, #tpu.memory_space<semaphore_mem>>) src(%dma_wait3A_582 : memref<104x128xf32, #tpu.memory_space<hbm>>) dst(%dma_wait3A_579 : memref<104x128xf32, #tpu.memory_space<vmem>>)
      %mul3A_583 = arith.constant 104 : i32
      %mul3A_584 = arith.muli %add3A_564, %mul3A_583 : i32
      %add3A_585 = arith.addi %mul3A_2, %mul3A_584 : i32
      %dma_start3A_586 = arith.constant 4 : i32
      %dma_start3A_587 = arith.constant 4 : i32
      %dma_start3A_588 = arith.constant 0 : i32
      %dma_start3A_589 = arith.constant 0 : i32
      %dma_start3A_590 = tpu.memref_slice %arg6[%dma_start3A_586, %dma_start3A_588, %dma_start3A_589] : memref<8x104x128xf32, #tpu.memory_space<vmem>> -> memref<1x104x128xf32, #tpu.memory_space<vmem>>
      %dma_start3A_591 = tpu.memref_squeeze %dma_start3A_590 : memref<1x104x128xf32, #tpu.memory_space<vmem>> -> memref<104x128xf32, #tpu.memory_space<vmem>>
      %dma_start3A_592 = arith.constant 0 : i32
      %dma_start3A_593 = tpu.memref_slice %arg4[%add3A_585, %dma_start3A_592] : memref<106496x128xf32, #tpu.memory_space<hbm>> -> memref<104x128xf32, #tpu.memory_space<hbm>>
      %dma_start3A_594 = tpu.memref_slice %arg8[%dma_start3A_587] : memref<8x!tpu.dma_semaphore, #tpu.memory_space<semaphore_mem>> -> memref<1x!tpu.dma_semaphore, #tpu.memory_space<semaphore_mem>>
      %dma_start3A_595 = tpu.memref_squeeze %dma_start3A_594 : memref<1x!tpu.dma_semaphore, #tpu.memory_space<semaphore_mem>> -> memref<!tpu.dma_semaphore, #tpu.memory_space<semaphore_mem>>
      %dma_start3A_596 = arith.constant 0 : i32
      %dma_start3A_597 = tpu.memref_slice %arg4[%add3A_585, %dma_start3A_596] : memref<106496x128xf32, #tpu.memory_space<hbm>> -> memref<104x128xf32, #tpu.memory_space<hbm>>
      %dma_start3A_598 = arith.constant 0 : i32
      %dma_start3A_599 = arith.constant 0 : i32
      %dma_start3A_600 = tpu.memref_slice %arg6[%dma_start3A_586, %dma_start3A_598, %dma_start3A_599] : memref<8x104x128xf32, #tpu.memory_space<vmem>> -> memref<1x104x128xf32, #tpu.memory_space<vmem>>
      %dma_start3A_601 = tpu.memref_squeeze %dma_start3A_600 : memref<1x104x128xf32, #tpu.memory_space<vmem>> -> memref<104x128xf32, #tpu.memory_space<vmem>>
      tpu.enqueue_dma source(%dma_start3A_601 : memref<104x128xf32, #tpu.memory_space<vmem>>) target(%dma_start3A_597 : memref<104x128xf32, #tpu.memory_space<hbm>>) target_semaphore(%dma_start3A_595 : memref<!tpu.dma_semaphore, #tpu.memory_space<semaphore_mem>>)
      %dma_wait3A_602 = arith.constant 0 : i32
      %dma_wait3A_603 = arith.constant 0 : i32
      %dma_wait3A_604 = arith.constant 0 : i32
      %dma_wait3A_605 = arith.constant 0 : i32
      %dma_wait3A_606 = tpu.memref_slice %arg6[%dma_wait3A_602, %dma_wait3A_604, %dma_wait3A_605] : memref<8x104x128xf32, #tpu.memory_space<vmem>> -> memref<1x104x128xf32, #tpu.memory_space<vmem>>
      %dma_wait3A_607 = tpu.memref_squeeze %dma_wait3A_606 : memref<1x104x128xf32, #tpu.memory_space<vmem>> -> memref<104x128xf32, #tpu.memory_space<vmem>>
      %dma_wait3A_608 = arith.constant 0 : i32
      %dma_wait3A_609 = arith.constant 0 : i32
      %dma_wait3A_610 = tpu.memref_slice %arg2[%dma_wait3A_608, %dma_wait3A_609] : memref<100001x128xf32, #tpu.memory_space<hbm>> -> memref<104x128xf32, #tpu.memory_space<hbm>>
      %dma_wait3A_611 = tpu.memref_slice %arg8[%dma_wait3A_603] : memref<8x!tpu.dma_semaphore, #tpu.memory_space<semaphore_mem>> -> memref<1x!tpu.dma_semaphore, #tpu.memory_space<semaphore_mem>>
      %dma_wait3A_612 = tpu.memref_squeeze %dma_wait3A_611 : memref<1x!tpu.dma_semaphore, #tpu.memory_space<semaphore_mem>> -> memref<!tpu.dma_semaphore, #tpu.memory_space<semaphore_mem>>
      %dma_wait3A_613 = arith.constant 0 : i32
      %dma_wait3A_614 = arith.constant 0 : i32
      %dma_wait3A_615 = tpu.memref_slice %arg6[%dma_wait3A_602, %dma_wait3A_613, %dma_wait3A_614] : memref<8x104x128xf32, #tpu.memory_space<vmem>> -> memref<1x104x128xf32, #tpu.memory_space<vmem>>
      %dma_wait3A_616 = tpu.memref_squeeze %dma_wait3A_615 : memref<1x104x128xf32, #tpu.memory_space<vmem>> -> memref<104x128xf32, #tpu.memory_space<vmem>>
      %dma_wait3A_617 = arith.constant 0 : i32
      %dma_wait3A_618 = arith.constant 0 : i32
      %dma_wait3A_619 = tpu.memref_slice %arg2[%dma_wait3A_617, %dma_wait3A_618] : memref<100001x128xf32, #tpu.memory_space<hbm>> -> memref<104x128xf32, #tpu.memory_space<hbm>>
      tpu.wait_dma2 semaphore(%dma_wait3A_612 : memref<!tpu.dma_semaphore, #tpu.memory_space<semaphore_mem>>) src(%dma_wait3A_619 : memref<104x128xf32, #tpu.memory_space<hbm>>) dst(%dma_wait3A_616 : memref<104x128xf32, #tpu.memory_space<vmem>>)
      %add3A_620 = arith.constant 4 : i32
      %add3A_621 = arith.addi %add3A_564, %add3A_620 : i32
      %dma_start3A_622 = arith.constant 0 : i32
      %dma_start3A_623 = arith.constant 0 : i32
      %dma_start3A_624 = arith.constant 0 : i32
      %dma_start3A_625 = arith.constant 0 : i32
      %dma_start3A_626 = tpu.memref_slice %arg6[%dma_start3A_622, %dma_start3A_624, %dma_start3A_625] : memref<8x104x128xf32, #tpu.memory_space<vmem>> -> memref<1x104x128xf32, #tpu.memory_space<vmem>>
      %dma_start3A_627 = tpu.memref_squeeze %dma_start3A_626 : memref<1x104x128xf32, #tpu.memory_space<vmem>> -> memref<104x128xf32, #tpu.memory_space<vmem>>
      %dma_start3A_628 = arith.constant 0 : i32
      %dma_start3A_629 = tpu.memref_slice %arg5[%add3A_621, %dma_start3A_628] : memref<32x104xi32, #tpu.memory_space<vmem>> -> memref<1x104xi32, #tpu.memory_space<vmem>>
      %dma_start3A_630 = tpu.memref_squeeze %dma_start3A_629 : memref<1x104xi32, #tpu.memory_space<vmem>> -> memref<104xi32, #tpu.memory_space<vmem>>
      %dma_start3A_631 = arith.constant 0 : i32
      %dma_start3A_632 = arith.constant 0 : i32
      %dma_start3A_633 = tpu.memref_slice %arg2[%dma_start3A_631, %dma_start3A_632] : memref<100001x128xf32, #tpu.memory_space<hbm>> -> memref<100001x128xf32, #tpu.memory_space<hbm>>
      %dma_start3A_634 = tpu.memref_slice %arg7[%dma_start3A_623] : memref<8x!tpu.dma_semaphore, #tpu.memory_space<semaphore_mem>> -> memref<1x!tpu.dma_semaphore, #tpu.memory_space<semaphore_mem>>
      %dma_start3A_635 = tpu.memref_squeeze %dma_start3A_634 : memref<1x!tpu.dma_semaphore, #tpu.memory_space<semaphore_mem>> -> memref<!tpu.dma_semaphore, #tpu.memory_space<semaphore_mem>>
      tpu.enqueue_indirect_dma source(%dma_start3A_633 : memref<100001x128xf32, #tpu.memory_space<hbm>>) target(%dma_start3A_627 : memref<104x128xf32, #tpu.memory_space<vmem>>) offsets(%dma_start3A_630 : memref<104xi32, #tpu.memory_space<vmem>>) semaphore(%dma_start3A_635 : memref<!tpu.dma_semaphore, #tpu.memory_space<semaphore_mem>>)
      %mul3A_636 = arith.constant 8 : i32
      %mul3A_637 = arith.muli %scan3A_558, %mul3A_636 : i32
      %add3A_638 = arith.constant 4 : i32
      %add3A_639 = arith.addi %add3A_638, %mul3A_637 : i32
      %add3A_640 = arith.constant 1 : i32
      %add3A_641 = arith.addi %add3A_639, %add3A_640 : i32
      %dma_wait3A_642 = arith.constant 5 : i32
      %dma_wait3A_643 = arith.constant 5 : i32
      %dma_wait3A_644 = arith.constant 0 : i32
      %dma_wait3A_645 = arith.constant 0 : i32
      %dma_wait3A_646 = tpu.memref_slice %arg6[%dma_wait3A_642, %dma_wait3A_644, %dma_wait3A_645] : memref<8x104x128xf32, #tpu.memory_space<vmem>> -> memref<1x104x128xf32, #tpu.memory_space<vmem>>
      %dma_wait3A_647 = tpu.memref_squeeze %dma_wait3A_646 : memref<1x104x128xf32, #tpu.memory_space<vmem>> -> memref<104x128xf32, #tpu.memory_space<vmem>>
      %dma_wait3A_648 = arith.constant 0 : i32
      %dma_wait3A_649 = arith.constant 0 : i32
      %dma_wait3A_650 = tpu.memref_slice %arg2[%dma_wait3A_648, %dma_wait3A_649] : memref<100001x128xf32, #tpu.memory_space<hbm>> -> memref<104x128xf32, #tpu.memory_space<hbm>>
      %dma_wait3A_651 = tpu.memref_slice %arg7[%dma_wait3A_643] : memref<8x!tpu.dma_semaphore, #tpu.memory_space<semaphore_mem>> -> memref<1x!tpu.dma_semaphore, #tpu.memory_space<semaphore_mem>>
      %dma_wait3A_652 = tpu.memref_squeeze %dma_wait3A_651 : memref<1x!tpu.dma_semaphore, #tpu.memory_space<semaphore_mem>> -> memref<!tpu.dma_semaphore, #tpu.memory_space<semaphore_mem>>
      %dma_wait3A_653 = arith.constant 0 : i32
      %dma_wait3A_654 = arith.constant 0 : i32
      %dma_wait3A_655 = tpu.memref_slice %arg6[%dma_wait3A_642, %dma_wait3A_653, %dma_wait3A_654] : memref<8x104x128xf32, #tpu.memory_space<vmem>> -> memref<1x104x128xf32, #tpu.memory_space<vmem>>
      %dma_wait3A_656 = tpu.memref_squeeze %dma_wait3A_655 : memref<1x104x128xf32, #tpu.memory_space<vmem>> -> memref<104x128xf32, #tpu.memory_space<vmem>>
      %dma_wait3A_657 = arith.constant 0 : i32
      %dma_wait3A_658 = arith.constant 0 : i32
      %dma_wait3A_659 = tpu.memref_slice %arg2[%dma_wait3A_657, %dma_wait3A_658] : memref<100001x128xf32, #tpu.memory_space<hbm>> -> memref<104x128xf32, #tpu.memory_space<hbm>>
      tpu.wait_dma2 semaphore(%dma_wait3A_652 : memref<!tpu.dma_semaphore, #tpu.memory_space<semaphore_mem>>) src(%dma_wait3A_659 : memref<104x128xf32, #tpu.memory_space<hbm>>) dst(%dma_wait3A_656 : memref<104x128xf32, #tpu.memory_space<vmem>>)
      %mul3A_660 = arith.constant 104 : i32
      %mul3A_661 = arith.muli %add3A_641, %mul3A_660 : i32
      %add3A_662 = arith.addi %mul3A_2, %mul3A_661 : i32
      %dma_start3A_663 = arith.constant 5 : i32
      %dma_start3A_664 = arith.constant 5 : i32
      %dma_start3A_665 = arith.constant 0 : i32
      %dma_start3A_666 = arith.constant 0 : i32
      %dma_start3A_667 = tpu.memref_slice %arg6[%dma_start3A_663, %dma_start3A_665, %dma_start3A_666] : memref<8x104x128xf32, #tpu.memory_space<vmem>> -> memref<1x104x128xf32, #tpu.memory_space<vmem>>
      %dma_start3A_668 = tpu.memref_squeeze %dma_start3A_667 : memref<1x104x128xf32, #tpu.memory_space<vmem>> -> memref<104x128xf32, #tpu.memory_space<vmem>>
      %dma_start3A_669 = arith.constant 0 : i32
      %dma_start3A_670 = tpu.memref_slice %arg4[%add3A_662, %dma_start3A_669] : memref<106496x128xf32, #tpu.memory_space<hbm>> -> memref<104x128xf32, #tpu.memory_space<hbm>>
      %dma_start3A_671 = tpu.memref_slice %arg8[%dma_start3A_664] : memref<8x!tpu.dma_semaphore, #tpu.memory_space<semaphore_mem>> -> memref<1x!tpu.dma_semaphore, #tpu.memory_space<semaphore_mem>>
      %dma_start3A_672 = tpu.memref_squeeze %dma_start3A_671 : memref<1x!tpu.dma_semaphore, #tpu.memory_space<semaphore_mem>> -> memref<!tpu.dma_semaphore, #tpu.memory_space<semaphore_mem>>
      %dma_start3A_673 = arith.constant 0 : i32
      %dma_start3A_674 = tpu.memref_slice %arg4[%add3A_662, %dma_start3A_673] : memref<106496x128xf32, #tpu.memory_space<hbm>> -> memref<104x128xf32, #tpu.memory_space<hbm>>
      %dma_start3A_675 = arith.constant 0 : i32
      %dma_start3A_676 = arith.constant 0 : i32
      %dma_start3A_677 = tpu.memref_slice %arg6[%dma_start3A_663, %dma_start3A_675, %dma_start3A_676] : memref<8x104x128xf32, #tpu.memory_space<vmem>> -> memref<1x104x128xf32, #tpu.memory_space<vmem>>
      %dma_start3A_678 = tpu.memref_squeeze %dma_start3A_677 : memref<1x104x128xf32, #tpu.memory_space<vmem>> -> memref<104x128xf32, #tpu.memory_space<vmem>>
      tpu.enqueue_dma source(%dma_start3A_678 : memref<104x128xf32, #tpu.memory_space<vmem>>) target(%dma_start3A_674 : memref<104x128xf32, #tpu.memory_space<hbm>>) target_semaphore(%dma_start3A_672 : memref<!tpu.dma_semaphore, #tpu.memory_space<semaphore_mem>>)
      %dma_wait3A_679 = arith.constant 1 : i32
      %dma_wait3A_680 = arith.constant 1 : i32
      %dma_wait3A_681 = arith.constant 0 : i32
      %dma_wait3A_682 = arith.constant 0 : i32
      %dma_wait3A_683 = tpu.memref_slice %arg6[%dma_wait3A_679, %dma_wait3A_681, %dma_wait3A_682] : memref<8x104x128xf32, #tpu.memory_space<vmem>> -> memref<1x104x128xf32, #tpu.memory_space<vmem>>
      %dma_wait3A_684 = tpu.memref_squeeze %dma_wait3A_683 : memref<1x104x128xf32, #tpu.memory_space<vmem>> -> memref<104x128xf32, #tpu.memory_space<vmem>>
      %dma_wait3A_685 = arith.constant 0 : i32
      %dma_wait3A_686 = arith.constant 0 : i32
      %dma_wait3A_687 = tpu.memref_slice %arg2[%dma_wait3A_685, %dma_wait3A_686] : memref<100001x128xf32, #tpu.memory_space<hbm>> -> memref<104x128xf32, #tpu.memory_space<hbm>>
      %dma_wait3A_688 = tpu.memref_slice %arg8[%dma_wait3A_680] : memref<8x!tpu.dma_semaphore, #tpu.memory_space<semaphore_mem>> -> memref<1x!tpu.dma_semaphore, #tpu.memory_space<semaphore_mem>>
      %dma_wait3A_689 = tpu.memref_squeeze %dma_wait3A_688 : memref<1x!tpu.dma_semaphore, #tpu.memory_space<semaphore_mem>> -> memref<!tpu.dma_semaphore, #tpu.memory_space<semaphore_mem>>
      %dma_wait3A_690 = arith.constant 0 : i32
      %dma_wait3A_691 = arith.constant 0 : i32
      %dma_wait3A_692 = tpu.memref_slice %arg6[%dma_wait3A_679, %dma_wait3A_690, %dma_wait3A_691] : memref<8x104x128xf32, #tpu.memory_space<vmem>> -> memref<1x104x128xf32, #tpu.memory_space<vmem>>
      %dma_wait3A_693 = tpu.memref_squeeze %dma_wait3A_692 : memref<1x104x128xf32, #tpu.memory_space<vmem>> -> memref<104x128xf32, #tpu.memory_space<vmem>>
      %dma_wait3A_694 = arith.constant 0 : i32
      %dma_wait3A_695 = arith.constant 0 : i32
      %dma_wait3A_696 = tpu.memref_slice %arg2[%dma_wait3A_694, %dma_wait3A_695] : memref<100001x128xf32, #tpu.memory_space<hbm>> -> memref<104x128xf32, #tpu.memory_space<hbm>>
      tpu.wait_dma2 semaphore(%dma_wait3A_689 : memref<!tpu.dma_semaphore, #tpu.memory_space<semaphore_mem>>) src(%dma_wait3A_696 : memref<104x128xf32, #tpu.memory_space<hbm>>) dst(%dma_wait3A_693 : memref<104x128xf32, #tpu.memory_space<vmem>>)
      %add3A_697 = arith.constant 4 : i32
      %add3A_698 = arith.addi %add3A_641, %add3A_697 : i32
      %dma_start3A_699 = arith.constant 1 : i32
      %dma_start3A_700 = arith.constant 1 : i32
      %dma_start3A_701 = arith.constant 0 : i32
      %dma_start3A_702 = arith.constant 0 : i32
      %dma_start3A_703 = tpu.memref_slice %arg6[%dma_start3A_699, %dma_start3A_701, %dma_start3A_702] : memref<8x104x128xf32, #tpu.memory_space<vmem>> -> memref<1x104x128xf32, #tpu.memory_space<vmem>>
      %dma_start3A_704 = tpu.memref_squeeze %dma_start3A_703 : memref<1x104x128xf32, #tpu.memory_space<vmem>> -> memref<104x128xf32, #tpu.memory_space<vmem>>
      %dma_start3A_705 = arith.constant 0 : i32
      %dma_start3A_706 = tpu.memref_slice %arg5[%add3A_698, %dma_start3A_705] : memref<32x104xi32, #tpu.memory_space<vmem>> -> memref<1x104xi32, #tpu.memory_space<vmem>>
      %dma_start3A_707 = tpu.memref_squeeze %dma_start3A_706 : memref<1x104xi32, #tpu.memory_space<vmem>> -> memref<104xi32, #tpu.memory_space<vmem>>
      %dma_start3A_708 = arith.constant 0 : i32
      %dma_start3A_709 = arith.constant 0 : i32
      %dma_start3A_710 = tpu.memref_slice %arg2[%dma_start3A_708, %dma_start3A_709] : memref<100001x128xf32, #tpu.memory_space<hbm>> -> memref<100001x128xf32, #tpu.memory_space<hbm>>
      %dma_start3A_711 = tpu.memref_slice %arg7[%dma_start3A_700] : memref<8x!tpu.dma_semaphore, #tpu.memory_space<semaphore_mem>> -> memref<1x!tpu.dma_semaphore, #tpu.memory_space<semaphore_mem>>
      %dma_start3A_712 = tpu.memref_squeeze %dma_start3A_711 : memref<1x!tpu.dma_semaphore, #tpu.memory_space<semaphore_mem>> -> memref<!tpu.dma_semaphore, #tpu.memory_space<semaphore_mem>>
      tpu.enqueue_indirect_dma source(%dma_start3A_710 : memref<100001x128xf32, #tpu.memory_space<hbm>>) target(%dma_start3A_704 : memref<104x128xf32, #tpu.memory_space<vmem>>) offsets(%dma_start3A_707 : memref<104xi32, #tpu.memory_space<vmem>>) semaphore(%dma_start3A_712 : memref<!tpu.dma_semaphore, #tpu.memory_space<semaphore_mem>>)
      %mul3A_713 = arith.constant 8 : i32
      %mul3A_714 = arith.muli %scan3A_558, %mul3A_713 : i32
      %add3A_715 = arith.constant 4 : i32
      %add3A_716 = arith.addi %add3A_715, %mul3A_714 : i32
      %add3A_717 = arith.constant 2 : i32
      %add3A_718 = arith.addi %add3A_716, %add3A_717 : i32
      %dma_wait3A_719 = arith.constant 6 : i32
      %dma_wait3A_720 = arith.constant 6 : i32
      %dma_wait3A_721 = arith.constant 0 : i32
      %dma_wait3A_722 = arith.constant 0 : i32
      %dma_wait3A_723 = tpu.memref_slice %arg6[%dma_wait3A_719, %dma_wait3A_721, %dma_wait3A_722] : memref<8x104x128xf32, #tpu.memory_space<vmem>> -> memref<1x104x128xf32, #tpu.memory_space<vmem>>
      %dma_wait3A_724 = tpu.memref_squeeze %dma_wait3A_723 : memref<1x104x128xf32, #tpu.memory_space<vmem>> -> memref<104x128xf32, #tpu.memory_space<vmem>>
      %dma_wait3A_725 = arith.constant 0 : i32
      %dma_wait3A_726 = arith.constant 0 : i32
      %dma_wait3A_727 = tpu.memref_slice %arg2[%dma_wait3A_725, %dma_wait3A_726] : memref<100001x128xf32, #tpu.memory_space<hbm>> -> memref<104x128xf32, #tpu.memory_space<hbm>>
      %dma_wait3A_728 = tpu.memref_slice %arg7[%dma_wait3A_720] : memref<8x!tpu.dma_semaphore, #tpu.memory_space<semaphore_mem>> -> memref<1x!tpu.dma_semaphore, #tpu.memory_space<semaphore_mem>>
      %dma_wait3A_729 = tpu.memref_squeeze %dma_wait3A_728 : memref<1x!tpu.dma_semaphore, #tpu.memory_space<semaphore_mem>> -> memref<!tpu.dma_semaphore, #tpu.memory_space<semaphore_mem>>
      %dma_wait3A_730 = arith.constant 0 : i32
      %dma_wait3A_731 = arith.constant 0 : i32
      %dma_wait3A_732 = tpu.memref_slice %arg6[%dma_wait3A_719, %dma_wait3A_730, %dma_wait3A_731] : memref<8x104x128xf32, #tpu.memory_space<vmem>> -> memref<1x104x128xf32, #tpu.memory_space<vmem>>
      %dma_wait3A_733 = tpu.memref_squeeze %dma_wait3A_732 : memref<1x104x128xf32, #tpu.memory_space<vmem>> -> memref<104x128xf32, #tpu.memory_space<vmem>>
      %dma_wait3A_734 = arith.constant 0 : i32
      %dma_wait3A_735 = arith.constant 0 : i32
      %dma_wait3A_736 = tpu.memref_slice %arg2[%dma_wait3A_734, %dma_wait3A_735] : memref<100001x128xf32, #tpu.memory_space<hbm>> -> memref<104x128xf32, #tpu.memory_space<hbm>>
      tpu.wait_dma2 semaphore(%dma_wait3A_729 : memref<!tpu.dma_semaphore, #tpu.memory_space<semaphore_mem>>) src(%dma_wait3A_736 : memref<104x128xf32, #tpu.memory_space<hbm>>) dst(%dma_wait3A_733 : memref<104x128xf32, #tpu.memory_space<vmem>>)
      %mul3A_737 = arith.constant 104 : i32
      %mul3A_738 = arith.muli %add3A_718, %mul3A_737 : i32
      %add3A_739 = arith.addi %mul3A_2, %mul3A_738 : i32
      %dma_start3A_740 = arith.constant 6 : i32
      %dma_start3A_741 = arith.constant 6 : i32
      %dma_start3A_742 = arith.constant 0 : i32
      %dma_start3A_743 = arith.constant 0 : i32
      %dma_start3A_744 = tpu.memref_slice %arg6[%dma_start3A_740, %dma_start3A_742, %dma_start3A_743] : memref<8x104x128xf32, #tpu.memory_space<vmem>> -> memref<1x104x128xf32, #tpu.memory_space<vmem>>
      %dma_start3A_745 = tpu.memref_squeeze %dma_start3A_744 : memref<1x104x128xf32, #tpu.memory_space<vmem>> -> memref<104x128xf32, #tpu.memory_space<vmem>>
      %dma_start3A_746 = arith.constant 0 : i32
      %dma_start3A_747 = tpu.memref_slice %arg4[%add3A_739, %dma_start3A_746] : memref<106496x128xf32, #tpu.memory_space<hbm>> -> memref<104x128xf32, #tpu.memory_space<hbm>>
      %dma_start3A_748 = tpu.memref_slice %arg8[%dma_start3A_741] : memref<8x!tpu.dma_semaphore, #tpu.memory_space<semaphore_mem>> -> memref<1x!tpu.dma_semaphore, #tpu.memory_space<semaphore_mem>>
      %dma_start3A_749 = tpu.memref_squeeze %dma_start3A_748 : memref<1x!tpu.dma_semaphore, #tpu.memory_space<semaphore_mem>> -> memref<!tpu.dma_semaphore, #tpu.memory_space<semaphore_mem>>
      %dma_start3A_750 = arith.constant 0 : i32
      %dma_start3A_751 = tpu.memref_slice %arg4[%add3A_739, %dma_start3A_750] : memref<106496x128xf32, #tpu.memory_space<hbm>> -> memref<104x128xf32, #tpu.memory_space<hbm>>
      %dma_start3A_752 = arith.constant 0 : i32
      %dma_start3A_753 = arith.constant 0 : i32
      %dma_start3A_754 = tpu.memref_slice %arg6[%dma_start3A_740, %dma_start3A_752, %dma_start3A_753] : memref<8x104x128xf32, #tpu.memory_space<vmem>> -> memref<1x104x128xf32, #tpu.memory_space<vmem>>
      %dma_start3A_755 = tpu.memref_squeeze %dma_start3A_754 : memref<1x104x128xf32, #tpu.memory_space<vmem>> -> memref<104x128xf32, #tpu.memory_space<vmem>>
      tpu.enqueue_dma source(%dma_start3A_755 : memref<104x128xf32, #tpu.memory_space<vmem>>) target(%dma_start3A_751 : memref<104x128xf32, #tpu.memory_space<hbm>>) target_semaphore(%dma_start3A_749 : memref<!tpu.dma_semaphore, #tpu.memory_space<semaphore_mem>>)
      %dma_wait3A_756 = arith.constant 2 : i32
      %dma_wait3A_757 = arith.constant 2 : i32
      %dma_wait3A_758 = arith.constant 0 : i32
      %dma_wait3A_759 = arith.constant 0 : i32
      %dma_wait3A_760 = tpu.memref_slice %arg6[%dma_wait3A_756, %dma_wait3A_758, %dma_wait3A_759] : memref<8x104x128xf32, #tpu.memory_space<vmem>> -> memref<1x104x128xf32, #tpu.memory_space<vmem>>
      %dma_wait3A_761 = tpu.memref_squeeze %dma_wait3A_760 : memref<1x104x128xf32, #tpu.memory_space<vmem>> -> memref<104x128xf32, #tpu.memory_space<vmem>>
      %dma_wait3A_762 = arith.constant 0 : i32
      %dma_wait3A_763 = arith.constant 0 : i32
      %dma_wait3A_764 = tpu.memref_slice %arg2[%dma_wait3A_762, %dma_wait3A_763] : memref<100001x128xf32, #tpu.memory_space<hbm>> -> memref<104x128xf32, #tpu.memory_space<hbm>>
      %dma_wait3A_765 = tpu.memref_slice %arg8[%dma_wait3A_757] : memref<8x!tpu.dma_semaphore, #tpu.memory_space<semaphore_mem>> -> memref<1x!tpu.dma_semaphore, #tpu.memory_space<semaphore_mem>>
      %dma_wait3A_766 = tpu.memref_squeeze %dma_wait3A_765 : memref<1x!tpu.dma_semaphore, #tpu.memory_space<semaphore_mem>> -> memref<!tpu.dma_semaphore, #tpu.memory_space<semaphore_mem>>
      %dma_wait3A_767 = arith.constant 0 : i32
      %dma_wait3A_768 = arith.constant 0 : i32
      %dma_wait3A_769 = tpu.memref_slice %arg6[%dma_wait3A_756, %dma_wait3A_767, %dma_wait3A_768] : memref<8x104x128xf32, #tpu.memory_space<vmem>> -> memref<1x104x128xf32, #tpu.memory_space<vmem>>
      %dma_wait3A_770 = tpu.memref_squeeze %dma_wait3A_769 : memref<1x104x128xf32, #tpu.memory_space<vmem>> -> memref<104x128xf32, #tpu.memory_space<vmem>>
      %dma_wait3A_771 = arith.constant 0 : i32
      %dma_wait3A_772 = arith.constant 0 : i32
      %dma_wait3A_773 = tpu.memref_slice %arg2[%dma_wait3A_771, %dma_wait3A_772] : memref<100001x128xf32, #tpu.memory_space<hbm>> -> memref<104x128xf32, #tpu.memory_space<hbm>>
      tpu.wait_dma2 semaphore(%dma_wait3A_766 : memref<!tpu.dma_semaphore, #tpu.memory_space<semaphore_mem>>) src(%dma_wait3A_773 : memref<104x128xf32, #tpu.memory_space<hbm>>) dst(%dma_wait3A_770 : memref<104x128xf32, #tpu.memory_space<vmem>>)
      %add3A_774 = arith.constant 4 : i32
      %add3A_775 = arith.addi %add3A_718, %add3A_774 : i32
      %dma_start3A_776 = arith.constant 2 : i32
      %dma_start3A_777 = arith.constant 2 : i32
      %dma_start3A_778 = arith.constant 0 : i32
      %dma_start3A_779 = arith.constant 0 : i32
      %dma_start3A_780 = tpu.memref_slice %arg6[%dma_start3A_776, %dma_start3A_778, %dma_start3A_779] : memref<8x104x128xf32, #tpu.memory_space<vmem>> -> memref<1x104x128xf32, #tpu.memory_space<vmem>>
      %dma_start3A_781 = tpu.memref_squeeze %dma_start3A_780 : memref<1x104x128xf32, #tpu.memory_space<vmem>> -> memref<104x128xf32, #tpu.memory_space<vmem>>
      %dma_start3A_782 = arith.constant 0 : i32
      %dma_start3A_783 = tpu.memref_slice %arg5[%add3A_775, %dma_start3A_782] : memref<32x104xi32, #tpu.memory_space<vmem>> -> memref<1x104xi32, #tpu.memory_space<vmem>>
      %dma_start3A_784 = tpu.memref_squeeze %dma_start3A_783 : memref<1x104xi32, #tpu.memory_space<vmem>> -> memref<104xi32, #tpu.memory_space<vmem>>
      %dma_start3A_785 = arith.constant 0 : i32
      %dma_start3A_786 = arith.constant 0 : i32
      %dma_start3A_787 = tpu.memref_slice %arg2[%dma_start3A_785, %dma_start3A_786] : memref<100001x128xf32, #tpu.memory_space<hbm>> -> memref<100001x128xf32, #tpu.memory_space<hbm>>
      %dma_start3A_788 = tpu.memref_slice %arg7[%dma_start3A_777] : memref<8x!tpu.dma_semaphore, #tpu.memory_space<semaphore_mem>> -> memref<1x!tpu.dma_semaphore, #tpu.memory_space<semaphore_mem>>
      %dma_start3A_789 = tpu.memref_squeeze %dma_start3A_788 : memref<1x!tpu.dma_semaphore, #tpu.memory_space<semaphore_mem>> -> memref<!tpu.dma_semaphore, #tpu.memory_space<semaphore_mem>>
      tpu.enqueue_indirect_dma source(%dma_start3A_787 : memref<100001x128xf32, #tpu.memory_space<hbm>>) target(%dma_start3A_781 : memref<104x128xf32, #tpu.memory_space<vmem>>) offsets(%dma_start3A_784 : memref<104xi32, #tpu.memory_space<vmem>>) semaphore(%dma_start3A_789 : memref<!tpu.dma_semaphore, #tpu.memory_space<semaphore_mem>>)
      %mul3A_790 = arith.constant 8 : i32
      %mul3A_791 = arith.muli %scan3A_558, %mul3A_790 : i32
      %add3A_792 = arith.constant 4 : i32
      %add3A_793 = arith.addi %add3A_792, %mul3A_791 : i32
      %add3A_794 = arith.constant 3 : i32
      %add3A_795 = arith.addi %add3A_793, %add3A_794 : i32
      %dma_wait3A_796 = arith.constant 7 : i32
      %dma_wait3A_797 = arith.constant 7 : i32
      %dma_wait3A_798 = arith.constant 0 : i32
      %dma_wait3A_799 = arith.constant 0 : i32
      %dma_wait3A_800 = tpu.memref_slice %arg6[%dma_wait3A_796, %dma_wait3A_798, %dma_wait3A_799] : memref<8x104x128xf32, #tpu.memory_space<vmem>> -> memref<1x104x128xf32, #tpu.memory_space<vmem>>
      %dma_wait3A_801 = tpu.memref_squeeze %dma_wait3A_800 : memref<1x104x128xf32, #tpu.memory_space<vmem>> -> memref<104x128xf32, #tpu.memory_space<vmem>>
      %dma_wait3A_802 = arith.constant 0 : i32
      %dma_wait3A_803 = arith.constant 0 : i32
      %dma_wait3A_804 = tpu.memref_slice %arg2[%dma_wait3A_802, %dma_wait3A_803] : memref<100001x128xf32, #tpu.memory_space<hbm>> -> memref<104x128xf32, #tpu.memory_space<hbm>>
      %dma_wait3A_805 = tpu.memref_slice %arg7[%dma_wait3A_797] : memref<8x!tpu.dma_semaphore, #tpu.memory_space<semaphore_mem>> -> memref<1x!tpu.dma_semaphore, #tpu.memory_space<semaphore_mem>>
      %dma_wait3A_806 = tpu.memref_squeeze %dma_wait3A_805 : memref<1x!tpu.dma_semaphore, #tpu.memory_space<semaphore_mem>> -> memref<!tpu.dma_semaphore, #tpu.memory_space<semaphore_mem>>
      %dma_wait3A_807 = arith.constant 0 : i32
      %dma_wait3A_808 = arith.constant 0 : i32
      %dma_wait3A_809 = tpu.memref_slice %arg6[%dma_wait3A_796, %dma_wait3A_807, %dma_wait3A_808] : memref<8x104x128xf32, #tpu.memory_space<vmem>> -> memref<1x104x128xf32, #tpu.memory_space<vmem>>
      %dma_wait3A_810 = tpu.memref_squeeze %dma_wait3A_809 : memref<1x104x128xf32, #tpu.memory_space<vmem>> -> memref<104x128xf32, #tpu.memory_space<vmem>>
      %dma_wait3A_811 = arith.constant 0 : i32
      %dma_wait3A_812 = arith.constant 0 : i32
      %dma_wait3A_813 = tpu.memref_slice %arg2[%dma_wait3A_811, %dma_wait3A_812] : memref<100001x128xf32, #tpu.memory_space<hbm>> -> memref<104x128xf32, #tpu.memory_space<hbm>>
      tpu.wait_dma2 semaphore(%dma_wait3A_806 : memref<!tpu.dma_semaphore, #tpu.memory_space<semaphore_mem>>) src(%dma_wait3A_813 : memref<104x128xf32, #tpu.memory_space<hbm>>) dst(%dma_wait3A_810 : memref<104x128xf32, #tpu.memory_space<vmem>>)
      %mul3A_814 = arith.constant 104 : i32
      %mul3A_815 = arith.muli %add3A_795, %mul3A_814 : i32
      %add3A_816 = arith.addi %mul3A_2, %mul3A_815 : i32
      %dma_start3A_817 = arith.constant 7 : i32
      %dma_start3A_818 = arith.constant 7 : i32
      %dma_start3A_819 = arith.constant 0 : i32
      %dma_start3A_820 = arith.constant 0 : i32
      %dma_start3A_821 = tpu.memref_slice %arg6[%dma_start3A_817, %dma_start3A_819, %dma_start3A_820] : memref<8x104x128xf32, #tpu.memory_space<vmem>> -> memref<1x104x128xf32, #tpu.memory_space<vmem>>
      %dma_start3A_822 = tpu.memref_squeeze %dma_start3A_821 : memref<1x104x128xf32, #tpu.memory_space<vmem>> -> memref<104x128xf32, #tpu.memory_space<vmem>>
      %dma_start3A_823 = arith.constant 0 : i32
      %dma_start3A_824 = tpu.memref_slice %arg4[%add3A_816, %dma_start3A_823] : memref<106496x128xf32, #tpu.memory_space<hbm>> -> memref<104x128xf32, #tpu.memory_space<hbm>>
      %dma_start3A_825 = tpu.memref_slice %arg8[%dma_start3A_818] : memref<8x!tpu.dma_semaphore, #tpu.memory_space<semaphore_mem>> -> memref<1x!tpu.dma_semaphore, #tpu.memory_space<semaphore_mem>>
      %dma_start3A_826 = tpu.memref_squeeze %dma_start3A_825 : memref<1x!tpu.dma_semaphore, #tpu.memory_space<semaphore_mem>> -> memref<!tpu.dma_semaphore, #tpu.memory_space<semaphore_mem>>
      %dma_start3A_827 = arith.constant 0 : i32
      %dma_start3A_828 = tpu.memref_slice %arg4[%add3A_816, %dma_start3A_827] : memref<106496x128xf32, #tpu.memory_space<hbm>> -> memref<104x128xf32, #tpu.memory_space<hbm>>
      %dma_start3A_829 = arith.constant 0 : i32
      %dma_start3A_830 = arith.constant 0 : i32
      %dma_start3A_831 = tpu.memref_slice %arg6[%dma_start3A_817, %dma_start3A_829, %dma_start3A_830] : memref<8x104x128xf32, #tpu.memory_space<vmem>> -> memref<1x104x128xf32, #tpu.memory_space<vmem>>
      %dma_start3A_832 = tpu.memref_squeeze %dma_start3A_831 : memref<1x104x128xf32, #tpu.memory_space<vmem>> -> memref<104x128xf32, #tpu.memory_space<vmem>>
      tpu.enqueue_dma source(%dma_start3A_832 : memref<104x128xf32, #tpu.memory_space<vmem>>) target(%dma_start3A_828 : memref<104x128xf32, #tpu.memory_space<hbm>>) target_semaphore(%dma_start3A_826 : memref<!tpu.dma_semaphore, #tpu.memory_space<semaphore_mem>>)
      %dma_wait3A_833 = arith.constant 3 : i32
      %dma_wait3A_834 = arith.constant 3 : i32
      %dma_wait3A_835 = arith.constant 0 : i32
      %dma_wait3A_836 = arith.constant 0 : i32
      %dma_wait3A_837 = tpu.memref_slice %arg6[%dma_wait3A_833, %dma_wait3A_835, %dma_wait3A_836] : memref<8x104x128xf32, #tpu.memory_space<vmem>> -> memref<1x104x128xf32, #tpu.memory_space<vmem>>
      %dma_wait3A_838 = tpu.memref_squeeze %dma_wait3A_837 : memref<1x104x128xf32, #tpu.memory_space<vmem>> -> memref<104x128xf32, #tpu.memory_space<vmem>>
      %dma_wait3A_839 = arith.constant 0 : i32
      %dma_wait3A_840 = arith.constant 0 : i32
      %dma_wait3A_841 = tpu.memref_slice %arg2[%dma_wait3A_839, %dma_wait3A_840] : memref<100001x128xf32, #tpu.memory_space<hbm>> -> memref<104x128xf32, #tpu.memory_space<hbm>>
      %dma_wait3A_842 = tpu.memref_slice %arg8[%dma_wait3A_834] : memref<8x!tpu.dma_semaphore, #tpu.memory_space<semaphore_mem>> -> memref<1x!tpu.dma_semaphore, #tpu.memory_space<semaphore_mem>>
      %dma_wait3A_843 = tpu.memref_squeeze %dma_wait3A_842 : memref<1x!tpu.dma_semaphore, #tpu.memory_space<semaphore_mem>> -> memref<!tpu.dma_semaphore, #tpu.memory_space<semaphore_mem>>
      %dma_wait3A_844 = arith.constant 0 : i32
      %dma_wait3A_845 = arith.constant 0 : i32
      %dma_wait3A_846 = tpu.memref_slice %arg6[%dma_wait3A_833, %dma_wait3A_844, %dma_wait3A_845] : memref<8x104x128xf32, #tpu.memory_space<vmem>> -> memref<1x104x128xf32, #tpu.memory_space<vmem>>
      %dma_wait3A_847 = tpu.memref_squeeze %dma_wait3A_846 : memref<1x104x128xf32, #tpu.memory_space<vmem>> -> memref<104x128xf32, #tpu.memory_space<vmem>>
      %dma_wait3A_848 = arith.constant 0 : i32
      %dma_wait3A_849 = arith.constant 0 : i32
      %dma_wait3A_850 = tpu.memref_slice %arg2[%dma_wait3A_848, %dma_wait3A_849] : memref<100001x128xf32, #tpu.memory_space<hbm>> -> memref<104x128xf32, #tpu.memory_space<hbm>>
      tpu.wait_dma2 semaphore(%dma_wait3A_843 : memref<!tpu.dma_semaphore, #tpu.memory_space<semaphore_mem>>) src(%dma_wait3A_850 : memref<104x128xf32, #tpu.memory_space<hbm>>) dst(%dma_wait3A_847 : memref<104x128xf32, #tpu.memory_space<vmem>>)
      %add3A_851 = arith.constant 4 : i32
      %add3A_852 = arith.addi %add3A_795, %add3A_851 : i32
      %dma_start3A_853 = arith.constant 3 : i32
      %dma_start3A_854 = arith.constant 3 : i32
      %dma_start3A_855 = arith.constant 0 : i32
      %dma_start3A_856 = arith.constant 0 : i32
      %dma_start3A_857 = tpu.memref_slice %arg6[%dma_start3A_853, %dma_start3A_855, %dma_start3A_856] : memref<8x104x128xf32, #tpu.memory_space<vmem>> -> memref<1x104x128xf32, #tpu.memory_space<vmem>>
      %dma_start3A_858 = tpu.memref_squeeze %dma_start3A_857 : memref<1x104x128xf32, #tpu.memory_space<vmem>> -> memref<104x128xf32, #tpu.memory_space<vmem>>
      %dma_start3A_859 = arith.constant 0 : i32
      %dma_start3A_860 = tpu.memref_slice %arg5[%add3A_852, %dma_start3A_859] : memref<32x104xi32, #tpu.memory_space<vmem>> -> memref<1x104xi32, #tpu.memory_space<vmem>>
      %dma_start3A_861 = tpu.memref_squeeze %dma_start3A_860 : memref<1x104xi32, #tpu.memory_space<vmem>> -> memref<104xi32, #tpu.memory_space<vmem>>
      %dma_start3A_862 = arith.constant 0 : i32
      %dma_start3A_863 = arith.constant 0 : i32
      %dma_start3A_864 = tpu.memref_slice %arg2[%dma_start3A_862, %dma_start3A_863] : memref<100001x128xf32, #tpu.memory_space<hbm>> -> memref<100001x128xf32, #tpu.memory_space<hbm>>
      %dma_start3A_865 = tpu.memref_slice %arg7[%dma_start3A_854] : memref<8x!tpu.dma_semaphore, #tpu.memory_space<semaphore_mem>> -> memref<1x!tpu.dma_semaphore, #tpu.memory_space<semaphore_mem>>
      %dma_start3A_866 = tpu.memref_squeeze %dma_start3A_865 : memref<1x!tpu.dma_semaphore, #tpu.memory_space<semaphore_mem>> -> memref<!tpu.dma_semaphore, #tpu.memory_space<semaphore_mem>>
      tpu.enqueue_indirect_dma source(%dma_start3A_864 : memref<100001x128xf32, #tpu.memory_space<hbm>>) target(%dma_start3A_858 : memref<104x128xf32, #tpu.memory_space<vmem>>) offsets(%dma_start3A_861 : memref<104xi32, #tpu.memory_space<vmem>>) semaphore(%dma_start3A_866 : memref<!tpu.dma_semaphore, #tpu.memory_space<semaphore_mem>>)
      %mul3A_867 = arith.constant 8 : i32
      %mul3A_868 = arith.muli %scan3A_558, %mul3A_867 : i32
      %add3A_869 = arith.constant 4 : i32
      %add3A_870 = arith.addi %add3A_869, %mul3A_868 : i32
      %add3A_871 = arith.constant 4 : i32
      %add3A_872 = arith.addi %add3A_870, %add3A_871 : i32
      %dma_wait3A_873 = arith.constant 0 : i32
      %dma_wait3A_874 = arith.constant 0 : i32
      %dma_wait3A_875 = arith.constant 0 : i32
      %dma_wait3A_876 = arith.constant 0 : i32
      %dma_wait3A_877 = tpu.memref_slice %arg6[%dma_wait3A_873, %dma_wait3A_875, %dma_wait3A_876] : memref<8x104x128xf32, #tpu.memory_space<vmem>> -> memref<1x104x128xf32, #tpu.memory_space<vmem>>
      %dma_wait3A_878 = tpu.memref_squeeze %dma_wait3A_877 : memref<1x104x128xf32, #tpu.memory_space<vmem>> -> memref<104x128xf32, #tpu.memory_space<vmem>>
      %dma_wait3A_879 = arith.constant 0 : i32
      %dma_wait3A_880 = arith.constant 0 : i32
      %dma_wait3A_881 = tpu.memref_slice %arg2[%dma_wait3A_879, %dma_wait3A_880] : memref<100001x128xf32, #tpu.memory_space<hbm>> -> memref<104x128xf32, #tpu.memory_space<hbm>>
      %dma_wait3A_882 = tpu.memref_slice %arg7[%dma_wait3A_874] : memref<8x!tpu.dma_semaphore, #tpu.memory_space<semaphore_mem>> -> memref<1x!tpu.dma_semaphore, #tpu.memory_space<semaphore_mem>>
      %dma_wait3A_883 = tpu.memref_squeeze %dma_wait3A_882 : memref<1x!tpu.dma_semaphore, #tpu.memory_space<semaphore_mem>> -> memref<!tpu.dma_semaphore, #tpu.memory_space<semaphore_mem>>
      %dma_wait3A_884 = arith.constant 0 : i32
      %dma_wait3A_885 = arith.constant 0 : i32
      %dma_wait3A_886 = tpu.memref_slice %arg6[%dma_wait3A_873, %dma_wait3A_884, %dma_wait3A_885] : memref<8x104x128xf32, #tpu.memory_space<vmem>> -> memref<1x104x128xf32, #tpu.memory_space<vmem>>
      %dma_wait3A_887 = tpu.memref_squeeze %dma_wait3A_886 : memref<1x104x128xf32, #tpu.memory_space<vmem>> -> memref<104x128xf32, #tpu.memory_space<vmem>>
      %dma_wait3A_888 = arith.constant 0 : i32
      %dma_wait3A_889 = arith.constant 0 : i32
      %dma_wait3A_890 = tpu.memref_slice %arg2[%dma_wait3A_888, %dma_wait3A_889] : memref<100001x128xf32, #tpu.memory_space<hbm>> -> memref<104x128xf32, #tpu.memory_space<hbm>>
      tpu.wait_dma2 semaphore(%dma_wait3A_883 : memref<!tpu.dma_semaphore, #tpu.memory_space<semaphore_mem>>) src(%dma_wait3A_890 : memref<104x128xf32, #tpu.memory_space<hbm>>) dst(%dma_wait3A_887 : memref<104x128xf32, #tpu.memory_space<vmem>>)
      %mul3A_891 = arith.constant 104 : i32
      %mul3A_892 = arith.muli %add3A_872, %mul3A_891 : i32
      %add3A_893 = arith.addi %mul3A_2, %mul3A_892 : i32
      %dma_start3A_894 = arith.constant 0 : i32
      %dma_start3A_895 = arith.constant 0 : i32
      %dma_start3A_896 = arith.constant 0 : i32
      %dma_start3A_897 = arith.constant 0 : i32
      %dma_start3A_898 = tpu.memref_slice %arg6[%dma_start3A_894, %dma_start3A_896, %dma_start3A_897] : memref<8x104x128xf32, #tpu.memory_space<vmem>> -> memref<1x104x128xf32, #tpu.memory_space<vmem>>
      %dma_start3A_899 = tpu.memref_squeeze %dma_start3A_898 : memref<1x104x128xf32, #tpu.memory_space<vmem>> -> memref<104x128xf32, #tpu.memory_space<vmem>>
      %dma_start3A_900 = arith.constant 0 : i32
      %dma_start3A_901 = tpu.memref_slice %arg4[%add3A_893, %dma_start3A_900] : memref<106496x128xf32, #tpu.memory_space<hbm>> -> memref<104x128xf32, #tpu.memory_space<hbm>>
      %dma_start3A_902 = tpu.memref_slice %arg8[%dma_start3A_895] : memref<8x!tpu.dma_semaphore, #tpu.memory_space<semaphore_mem>> -> memref<1x!tpu.dma_semaphore, #tpu.memory_space<semaphore_mem>>
      %dma_start3A_903 = tpu.memref_squeeze %dma_start3A_902 : memref<1x!tpu.dma_semaphore, #tpu.memory_space<semaphore_mem>> -> memref<!tpu.dma_semaphore, #tpu.memory_space<semaphore_mem>>
      %dma_start3A_904 = arith.constant 0 : i32
      %dma_start3A_905 = tpu.memref_slice %arg4[%add3A_893, %dma_start3A_904] : memref<106496x128xf32, #tpu.memory_space<hbm>> -> memref<104x128xf32, #tpu.memory_space<hbm>>
      %dma_start3A_906 = arith.constant 0 : i32
      %dma_start3A_907 = arith.constant 0 : i32
      %dma_start3A_908 = tpu.memref_slice %arg6[%dma_start3A_894, %dma_start3A_906, %dma_start3A_907] : memref<8x104x128xf32, #tpu.memory_space<vmem>> -> memref<1x104x128xf32, #tpu.memory_space<vmem>>
      %dma_start3A_909 = tpu.memref_squeeze %dma_start3A_908 : memref<1x104x128xf32, #tpu.memory_space<vmem>> -> memref<104x128xf32, #tpu.memory_space<vmem>>
      tpu.enqueue_dma source(%dma_start3A_909 : memref<104x128xf32, #tpu.memory_space<vmem>>) target(%dma_start3A_905 : memref<104x128xf32, #tpu.memory_space<hbm>>) target_semaphore(%dma_start3A_903 : memref<!tpu.dma_semaphore, #tpu.memory_space<semaphore_mem>>)
      %dma_wait3A_910 = arith.constant 4 : i32
      %dma_wait3A_911 = arith.constant 4 : i32
      %dma_wait3A_912 = arith.constant 0 : i32
      %dma_wait3A_913 = arith.constant 0 : i32
      %dma_wait3A_914 = tpu.memref_slice %arg6[%dma_wait3A_910, %dma_wait3A_912, %dma_wait3A_913] : memref<8x104x128xf32, #tpu.memory_space<vmem>> -> memref<1x104x128xf32, #tpu.memory_space<vmem>>
      %dma_wait3A_915 = tpu.memref_squeeze %dma_wait3A_914 : memref<1x104x128xf32, #tpu.memory_space<vmem>> -> memref<104x128xf32, #tpu.memory_space<vmem>>
      %dma_wait3A_916 = arith.constant 0 : i32
      %dma_wait3A_917 = arith.constant 0 : i32
      %dma_wait3A_918 = tpu.memref_slice %arg2[%dma_wait3A_916, %dma_wait3A_917] : memref<100001x128xf32, #tpu.memory_space<hbm>> -> memref<104x128xf32, #tpu.memory_space<hbm>>
      %dma_wait3A_919 = tpu.memref_slice %arg8[%dma_wait3A_911] : memref<8x!tpu.dma_semaphore, #tpu.memory_space<semaphore_mem>> -> memref<1x!tpu.dma_semaphore, #tpu.memory_space<semaphore_mem>>
      %dma_wait3A_920 = tpu.memref_squeeze %dma_wait3A_919 : memref<1x!tpu.dma_semaphore, #tpu.memory_space<semaphore_mem>> -> memref<!tpu.dma_semaphore, #tpu.memory_space<semaphore_mem>>
      %dma_wait3A_921 = arith.constant 0 : i32
      %dma_wait3A_922 = arith.constant 0 : i32
      %dma_wait3A_923 = tpu.memref_slice %arg6[%dma_wait3A_910, %dma_wait3A_921, %dma_wait3A_922] : memref<8x104x128xf32, #tpu.memory_space<vmem>> -> memref<1x104x128xf32, #tpu.memory_space<vmem>>
      %dma_wait3A_924 = tpu.memref_squeeze %dma_wait3A_923 : memref<1x104x128xf32, #tpu.memory_space<vmem>> -> memref<104x128xf32, #tpu.memory_space<vmem>>
      %dma_wait3A_925 = arith.constant 0 : i32
      %dma_wait3A_926 = arith.constant 0 : i32
      %dma_wait3A_927 = tpu.memref_slice %arg2[%dma_wait3A_925, %dma_wait3A_926] : memref<100001x128xf32, #tpu.memory_space<hbm>> -> memref<104x128xf32, #tpu.memory_space<hbm>>
      tpu.wait_dma2 semaphore(%dma_wait3A_920 : memref<!tpu.dma_semaphore, #tpu.memory_space<semaphore_mem>>) src(%dma_wait3A_927 : memref<104x128xf32, #tpu.memory_space<hbm>>) dst(%dma_wait3A_924 : memref<104x128xf32, #tpu.memory_space<vmem>>)
      %add3A_928 = arith.constant 4 : i32
      %add3A_929 = arith.addi %add3A_872, %add3A_928 : i32
      %dma_start3A_930 = arith.constant 4 : i32
      %dma_start3A_931 = arith.constant 4 : i32
      %dma_start3A_932 = arith.constant 0 : i32
      %dma_start3A_933 = arith.constant 0 : i32
      %dma_start3A_934 = tpu.memref_slice %arg6[%dma_start3A_930, %dma_start3A_932, %dma_start3A_933] : memref<8x104x128xf32, #tpu.memory_space<vmem>> -> memref<1x104x128xf32, #tpu.memory_space<vmem>>
      %dma_start3A_935 = tpu.memref_squeeze %dma_start3A_934 : memref<1x104x128xf32, #tpu.memory_space<vmem>> -> memref<104x128xf32, #tpu.memory_space<vmem>>
      %dma_start3A_936 = arith.constant 0 : i32
      %dma_start3A_937 = tpu.memref_slice %arg5[%add3A_929, %dma_start3A_936] : memref<32x104xi32, #tpu.memory_space<vmem>> -> memref<1x104xi32, #tpu.memory_space<vmem>>
      %dma_start3A_938 = tpu.memref_squeeze %dma_start3A_937 : memref<1x104xi32, #tpu.memory_space<vmem>> -> memref<104xi32, #tpu.memory_space<vmem>>
      %dma_start3A_939 = arith.constant 0 : i32
      %dma_start3A_940 = arith.constant 0 : i32
      %dma_start3A_941 = tpu.memref_slice %arg2[%dma_start3A_939, %dma_start3A_940] : memref<100001x128xf32, #tpu.memory_space<hbm>> -> memref<100001x128xf32, #tpu.memory_space<hbm>>
      %dma_start3A_942 = tpu.memref_slice %arg7[%dma_start3A_931] : memref<8x!tpu.dma_semaphore, #tpu.memory_space<semaphore_mem>> -> memref<1x!tpu.dma_semaphore, #tpu.memory_space<semaphore_mem>>
      %dma_start3A_943 = tpu.memref_squeeze %dma_start3A_942 : memref<1x!tpu.dma_semaphore, #tpu.memory_space<semaphore_mem>> -> memref<!tpu.dma_semaphore, #tpu.memory_space<semaphore_mem>>
      tpu.enqueue_indirect_dma source(%dma_start3A_941 : memref<100001x128xf32, #tpu.memory_space<hbm>>) target(%dma_start3A_935 : memref<104x128xf32, #tpu.memory_space<vmem>>) offsets(%dma_start3A_938 : memref<104xi32, #tpu.memory_space<vmem>>) semaphore(%dma_start3A_943 : memref<!tpu.dma_semaphore, #tpu.memory_space<semaphore_mem>>)
      %mul3A_944 = arith.constant 8 : i32
      %mul3A_945 = arith.muli %scan3A_558, %mul3A_944 : i32
      %add3A_946 = arith.constant 4 : i32
      %add3A_947 = arith.addi %add3A_946, %mul3A_945 : i32
      %add3A_948 = arith.constant 5 : i32
      %add3A_949 = arith.addi %add3A_947, %add3A_948 : i32
      %dma_wait3A_950 = arith.constant 1 : i32
      %dma_wait3A_951 = arith.constant 1 : i32
      %dma_wait3A_952 = arith.constant 0 : i32
      %dma_wait3A_953 = arith.constant 0 : i32
      %dma_wait3A_954 = tpu.memref_slice %arg6[%dma_wait3A_950, %dma_wait3A_952, %dma_wait3A_953] : memref<8x104x128xf32, #tpu.memory_space<vmem>> -> memref<1x104x128xf32, #tpu.memory_space<vmem>>
      %dma_wait3A_955 = tpu.memref_squeeze %dma_wait3A_954 : memref<1x104x128xf32, #tpu.memory_space<vmem>> -> memref<104x128xf32, #tpu.memory_space<vmem>>
      %dma_wait3A_956 = arith.constant 0 : i32
      %dma_wait3A_957 = arith.constant 0 : i32
      %dma_wait3A_958 = tpu.memref_slice %arg2[%dma_wait3A_956, %dma_wait3A_957] : memref<100001x128xf32, #tpu.memory_space<hbm>> -> memref<104x128xf32, #tpu.memory_space<hbm>>
      %dma_wait3A_959 = tpu.memref_slice %arg7[%dma_wait3A_951] : memref<8x!tpu.dma_semaphore, #tpu.memory_space<semaphore_mem>> -> memref<1x!tpu.dma_semaphore, #tpu.memory_space<semaphore_mem>>
      %dma_wait3A_960 = tpu.memref_squeeze %dma_wait3A_959 : memref<1x!tpu.dma_semaphore, #tpu.memory_space<semaphore_mem>> -> memref<!tpu.dma_semaphore, #tpu.memory_space<semaphore_mem>>
      %dma_wait3A_961 = arith.constant 0 : i32
      %dma_wait3A_962 = arith.constant 0 : i32
      %dma_wait3A_963 = tpu.memref_slice %arg6[%dma_wait3A_950, %dma_wait3A_961, %dma_wait3A_962] : memref<8x104x128xf32, #tpu.memory_space<vmem>> -> memref<1x104x128xf32, #tpu.memory_space<vmem>>
      %dma_wait3A_964 = tpu.memref_squeeze %dma_wait3A_963 : memref<1x104x128xf32, #tpu.memory_space<vmem>> -> memref<104x128xf32, #tpu.memory_space<vmem>>
      %dma_wait3A_965 = arith.constant 0 : i32
      %dma_wait3A_966 = arith.constant 0 : i32
      %dma_wait3A_967 = tpu.memref_slice %arg2[%dma_wait3A_965, %dma_wait3A_966] : memref<100001x128xf32, #tpu.memory_space<hbm>> -> memref<104x128xf32, #tpu.memory_space<hbm>>
      tpu.wait_dma2 semaphore(%dma_wait3A_960 : memref<!tpu.dma_semaphore, #tpu.memory_space<semaphore_mem>>) src(%dma_wait3A_967 : memref<104x128xf32, #tpu.memory_space<hbm>>) dst(%dma_wait3A_964 : memref<104x128xf32, #tpu.memory_space<vmem>>)
      %mul3A_968 = arith.constant 104 : i32
      %mul3A_969 = arith.muli %add3A_949, %mul3A_968 : i32
      %add3A_970 = arith.addi %mul3A_2, %mul3A_969 : i32
      %dma_start3A_971 = arith.constant 1 : i32
      %dma_start3A_972 = arith.constant 1 : i32
      %dma_start3A_973 = arith.constant 0 : i32
      %dma_start3A_974 = arith.constant 0 : i32
      %dma_start3A_975 = tpu.memref_slice %arg6[%dma_start3A_971, %dma_start3A_973, %dma_start3A_974] : memref<8x104x128xf32, #tpu.memory_space<vmem>> -> memref<1x104x128xf32, #tpu.memory_space<vmem>>
      %dma_start3A_976 = tpu.memref_squeeze %dma_start3A_975 : memref<1x104x128xf32, #tpu.memory_space<vmem>> -> memref<104x128xf32, #tpu.memory_space<vmem>>
      %dma_start3A_977 = arith.constant 0 : i32
      %dma_start3A_978 = tpu.memref_slice %arg4[%add3A_970, %dma_start3A_977] : memref<106496x128xf32, #tpu.memory_space<hbm>> -> memref<104x128xf32, #tpu.memory_space<hbm>>
      %dma_start3A_979 = tpu.memref_slice %arg8[%dma_start3A_972] : memref<8x!tpu.dma_semaphore, #tpu.memory_space<semaphore_mem>> -> memref<1x!tpu.dma_semaphore, #tpu.memory_space<semaphore_mem>>
      %dma_start3A_980 = tpu.memref_squeeze %dma_start3A_979 : memref<1x!tpu.dma_semaphore, #tpu.memory_space<semaphore_mem>> -> memref<!tpu.dma_semaphore, #tpu.memory_space<semaphore_mem>>
      %dma_start3A_981 = arith.constant 0 : i32
      %dma_start3A_982 = tpu.memref_slice %arg4[%add3A_970, %dma_start3A_981] : memref<106496x128xf32, #tpu.memory_space<hbm>> -> memref<104x128xf32, #tpu.memory_space<hbm>>
      %dma_start3A_983 = arith.constant 0 : i32
      %dma_start3A_984 = arith.constant 0 : i32
      %dma_start3A_985 = tpu.memref_slice %arg6[%dma_start3A_971, %dma_start3A_983, %dma_start3A_984] : memref<8x104x128xf32, #tpu.memory_space<vmem>> -> memref<1x104x128xf32, #tpu.memory_space<vmem>>
      %dma_start3A_986 = tpu.memref_squeeze %dma_start3A_985 : memref<1x104x128xf32, #tpu.memory_space<vmem>> -> memref<104x128xf32, #tpu.memory_space<vmem>>
      tpu.enqueue_dma source(%dma_start3A_986 : memref<104x128xf32, #tpu.memory_space<vmem>>) target(%dma_start3A_982 : memref<104x128xf32, #tpu.memory_space<hbm>>) target_semaphore(%dma_start3A_980 : memref<!tpu.dma_semaphore, #tpu.memory_space<semaphore_mem>>)
      %dma_wait3A_987 = arith.constant 5 : i32
      %dma_wait3A_988 = arith.constant 5 : i32
      %dma_wait3A_989 = arith.constant 0 : i32
      %dma_wait3A_990 = arith.constant 0 : i32
      %dma_wait3A_991 = tpu.memref_slice %arg6[%dma_wait3A_987, %dma_wait3A_989, %dma_wait3A_990] : memref<8x104x128xf32, #tpu.memory_space<vmem>> -> memref<1x104x128xf32, #tpu.memory_space<vmem>>
      %dma_wait3A_992 = tpu.memref_squeeze %dma_wait3A_991 : memref<1x104x128xf32, #tpu.memory_space<vmem>> -> memref<104x128xf32, #tpu.memory_space<vmem>>
      %dma_wait3A_993 = arith.constant 0 : i32
      %dma_wait3A_994 = arith.constant 0 : i32
      %dma_wait3A_995 = tpu.memref_slice %arg2[%dma_wait3A_993, %dma_wait3A_994] : memref<100001x128xf32, #tpu.memory_space<hbm>> -> memref<104x128xf32, #tpu.memory_space<hbm>>
      %dma_wait3A_996 = tpu.memref_slice %arg8[%dma_wait3A_988] : memref<8x!tpu.dma_semaphore, #tpu.memory_space<semaphore_mem>> -> memref<1x!tpu.dma_semaphore, #tpu.memory_space<semaphore_mem>>
      %dma_wait3A_997 = tpu.memref_squeeze %dma_wait3A_996 : memref<1x!tpu.dma_semaphore, #tpu.memory_space<semaphore_mem>> -> memref<!tpu.dma_semaphore, #tpu.memory_space<semaphore_mem>>
      %dma_wait3A_998 = arith.constant 0 : i32
      %dma_wait3A_999 = arith.constant 0 : i32
      %dma_wait3A_1000 = tpu.memref_slice %arg6[%dma_wait3A_987, %dma_wait3A_998, %dma_wait3A_999] : memref<8x104x128xf32, #tpu.memory_space<vmem>> -> memref<1x104x128xf32, #tpu.memory_space<vmem>>
      %dma_wait3A_1001 = tpu.memref_squeeze %dma_wait3A_1000 : memref<1x104x128xf32, #tpu.memory_space<vmem>> -> memref<104x128xf32, #tpu.memory_space<vmem>>
      %dma_wait3A_1002 = arith.constant 0 : i32
      %dma_wait3A_1003 = arith.constant 0 : i32
      %dma_wait3A_1004 = tpu.memref_slice %arg2[%dma_wait3A_1002, %dma_wait3A_1003] : memref<100001x128xf32, #tpu.memory_space<hbm>> -> memref<104x128xf32, #tpu.memory_space<hbm>>
      tpu.wait_dma2 semaphore(%dma_wait3A_997 : memref<!tpu.dma_semaphore, #tpu.memory_space<semaphore_mem>>) src(%dma_wait3A_1004 : memref<104x128xf32, #tpu.memory_space<hbm>>) dst(%dma_wait3A_1001 : memref<104x128xf32, #tpu.memory_space<vmem>>)
      %add3A_1005 = arith.constant 4 : i32
      %add3A_1006 = arith.addi %add3A_949, %add3A_1005 : i32
      %dma_start3A_1007 = arith.constant 5 : i32
      %dma_start3A_1008 = arith.constant 5 : i32
      %dma_start3A_1009 = arith.constant 0 : i32
      %dma_start3A_1010 = arith.constant 0 : i32
      %dma_start3A_1011 = tpu.memref_slice %arg6[%dma_start3A_1007, %dma_start3A_1009, %dma_start3A_1010] : memref<8x104x128xf32, #tpu.memory_space<vmem>> -> memref<1x104x128xf32, #tpu.memory_space<vmem>>
      %dma_start3A_1012 = tpu.memref_squeeze %dma_start3A_1011 : memref<1x104x128xf32, #tpu.memory_space<vmem>> -> memref<104x128xf32, #tpu.memory_space<vmem>>
      %dma_start3A_1013 = arith.constant 0 : i32
      %dma_start3A_1014 = tpu.memref_slice %arg5[%add3A_1006, %dma_start3A_1013] : memref<32x104xi32, #tpu.memory_space<vmem>> -> memref<1x104xi32, #tpu.memory_space<vmem>>
      %dma_start3A_1015 = tpu.memref_squeeze %dma_start3A_1014 : memref<1x104xi32, #tpu.memory_space<vmem>> -> memref<104xi32, #tpu.memory_space<vmem>>
      %dma_start3A_1016 = arith.constant 0 : i32
      %dma_start3A_1017 = arith.constant 0 : i32
      %dma_start3A_1018 = tpu.memref_slice %arg2[%dma_start3A_1016, %dma_start3A_1017] : memref<100001x128xf32, #tpu.memory_space<hbm>> -> memref<100001x128xf32, #tpu.memory_space<hbm>>
      %dma_start3A_1019 = tpu.memref_slice %arg7[%dma_start3A_1008] : memref<8x!tpu.dma_semaphore, #tpu.memory_space<semaphore_mem>> -> memref<1x!tpu.dma_semaphore, #tpu.memory_space<semaphore_mem>>
      %dma_start3A_1020 = tpu.memref_squeeze %dma_start3A_1019 : memref<1x!tpu.dma_semaphore, #tpu.memory_space<semaphore_mem>> -> memref<!tpu.dma_semaphore, #tpu.memory_space<semaphore_mem>>
      tpu.enqueue_indirect_dma source(%dma_start3A_1018 : memref<100001x128xf32, #tpu.memory_space<hbm>>) target(%dma_start3A_1012 : memref<104x128xf32, #tpu.memory_space<vmem>>) offsets(%dma_start3A_1015 : memref<104xi32, #tpu.memory_space<vmem>>) semaphore(%dma_start3A_1020 : memref<!tpu.dma_semaphore, #tpu.memory_space<semaphore_mem>>)
      %mul3A_1021 = arith.constant 8 : i32
      %mul3A_1022 = arith.muli %scan3A_558, %mul3A_1021 : i32
      %add3A_1023 = arith.constant 4 : i32
      %add3A_1024 = arith.addi %add3A_1023, %mul3A_1022 : i32
      %add3A_1025 = arith.constant 6 : i32
      %add3A_1026 = arith.addi %add3A_1024, %add3A_1025 : i32
      %dma_wait3A_1027 = arith.constant 2 : i32
      %dma_wait3A_1028 = arith.constant 2 : i32
      %dma_wait3A_1029 = arith.constant 0 : i32
      %dma_wait3A_1030 = arith.constant 0 : i32
      %dma_wait3A_1031 = tpu.memref_slice %arg6[%dma_wait3A_1027, %dma_wait3A_1029, %dma_wait3A_1030] : memref<8x104x128xf32, #tpu.memory_space<vmem>> -> memref<1x104x128xf32, #tpu.memory_space<vmem>>
      %dma_wait3A_1032 = tpu.memref_squeeze %dma_wait3A_1031 : memref<1x104x128xf32, #tpu.memory_space<vmem>> -> memref<104x128xf32, #tpu.memory_space<vmem>>
      %dma_wait3A_1033 = arith.constant 0 : i32
      %dma_wait3A_1034 = arith.constant 0 : i32
      %dma_wait3A_1035 = tpu.memref_slice %arg2[%dma_wait3A_1033, %dma_wait3A_1034] : memref<100001x128xf32, #tpu.memory_space<hbm>> -> memref<104x128xf32, #tpu.memory_space<hbm>>
      %dma_wait3A_1036 = tpu.memref_slice %arg7[%dma_wait3A_1028] : memref<8x!tpu.dma_semaphore, #tpu.memory_space<semaphore_mem>> -> memref<1x!tpu.dma_semaphore, #tpu.memory_space<semaphore_mem>>
      %dma_wait3A_1037 = tpu.memref_squeeze %dma_wait3A_1036 : memref<1x!tpu.dma_semaphore, #tpu.memory_space<semaphore_mem>> -> memref<!tpu.dma_semaphore, #tpu.memory_space<semaphore_mem>>
      %dma_wait3A_1038 = arith.constant 0 : i32
      %dma_wait3A_1039 = arith.constant 0 : i32
      %dma_wait3A_1040 = tpu.memref_slice %arg6[%dma_wait3A_1027, %dma_wait3A_1038, %dma_wait3A_1039] : memref<8x104x128xf32, #tpu.memory_space<vmem>> -> memref<1x104x128xf32, #tpu.memory_space<vmem>>
      %dma_wait3A_1041 = tpu.memref_squeeze %dma_wait3A_1040 : memref<1x104x128xf32, #tpu.memory_space<vmem>> -> memref<104x128xf32, #tpu.memory_space<vmem>>
      %dma_wait3A_1042 = arith.constant 0 : i32
      %dma_wait3A_1043 = arith.constant 0 : i32
      %dma_wait3A_1044 = tpu.memref_slice %arg2[%dma_wait3A_1042, %dma_wait3A_1043] : memref<100001x128xf32, #tpu.memory_space<hbm>> -> memref<104x128xf32, #tpu.memory_space<hbm>>
      tpu.wait_dma2 semaphore(%dma_wait3A_1037 : memref<!tpu.dma_semaphore, #tpu.memory_space<semaphore_mem>>) src(%dma_wait3A_1044 : memref<104x128xf32, #tpu.memory_space<hbm>>) dst(%dma_wait3A_1041 : memref<104x128xf32, #tpu.memory_space<vmem>>)
      %mul3A_1045 = arith.constant 104 : i32
      %mul3A_1046 = arith.muli %add3A_1026, %mul3A_1045 : i32
      %add3A_1047 = arith.addi %mul3A_2, %mul3A_1046 : i32
      %dma_start3A_1048 = arith.constant 2 : i32
      %dma_start3A_1049 = arith.constant 2 : i32
      %dma_start3A_1050 = arith.constant 0 : i32
      %dma_start3A_1051 = arith.constant 0 : i32
      %dma_start3A_1052 = tpu.memref_slice %arg6[%dma_start3A_1048, %dma_start3A_1050, %dma_start3A_1051] : memref<8x104x128xf32, #tpu.memory_space<vmem>> -> memref<1x104x128xf32, #tpu.memory_space<vmem>>
      %dma_start3A_1053 = tpu.memref_squeeze %dma_start3A_1052 : memref<1x104x128xf32, #tpu.memory_space<vmem>> -> memref<104x128xf32, #tpu.memory_space<vmem>>
      %dma_start3A_1054 = arith.constant 0 : i32
      %dma_start3A_1055 = tpu.memref_slice %arg4[%add3A_1047, %dma_start3A_1054] : memref<106496x128xf32, #tpu.memory_space<hbm>> -> memref<104x128xf32, #tpu.memory_space<hbm>>
      %dma_start3A_1056 = tpu.memref_slice %arg8[%dma_start3A_1049] : memref<8x!tpu.dma_semaphore, #tpu.memory_space<semaphore_mem>> -> memref<1x!tpu.dma_semaphore, #tpu.memory_space<semaphore_mem>>
      %dma_start3A_1057 = tpu.memref_squeeze %dma_start3A_1056 : memref<1x!tpu.dma_semaphore, #tpu.memory_space<semaphore_mem>> -> memref<!tpu.dma_semaphore, #tpu.memory_space<semaphore_mem>>
      %dma_start3A_1058 = arith.constant 0 : i32
      %dma_start3A_1059 = tpu.memref_slice %arg4[%add3A_1047, %dma_start3A_1058] : memref<106496x128xf32, #tpu.memory_space<hbm>> -> memref<104x128xf32, #tpu.memory_space<hbm>>
      %dma_start3A_1060 = arith.constant 0 : i32
      %dma_start3A_1061 = arith.constant 0 : i32
      %dma_start3A_1062 = tpu.memref_slice %arg6[%dma_start3A_1048, %dma_start3A_1060, %dma_start3A_1061] : memref<8x104x128xf32, #tpu.memory_space<vmem>> -> memref<1x104x128xf32, #tpu.memory_space<vmem>>
      %dma_start3A_1063 = tpu.memref_squeeze %dma_start3A_1062 : memref<1x104x128xf32, #tpu.memory_space<vmem>> -> memref<104x128xf32, #tpu.memory_space<vmem>>
      tpu.enqueue_dma source(%dma_start3A_1063 : memref<104x128xf32, #tpu.memory_space<vmem>>) target(%dma_start3A_1059 : memref<104x128xf32, #tpu.memory_space<hbm>>) target_semaphore(%dma_start3A_1057 : memref<!tpu.dma_semaphore, #tpu.memory_space<semaphore_mem>>)
      %dma_wait3A_1064 = arith.constant 6 : i32
      %dma_wait3A_1065 = arith.constant 6 : i32
      %dma_wait3A_1066 = arith.constant 0 : i32
      %dma_wait3A_1067 = arith.constant 0 : i32
      %dma_wait3A_1068 = tpu.memref_slice %arg6[%dma_wait3A_1064, %dma_wait3A_1066, %dma_wait3A_1067] : memref<8x104x128xf32, #tpu.memory_space<vmem>> -> memref<1x104x128xf32, #tpu.memory_space<vmem>>
      %dma_wait3A_1069 = tpu.memref_squeeze %dma_wait3A_1068 : memref<1x104x128xf32, #tpu.memory_space<vmem>> -> memref<104x128xf32, #tpu.memory_space<vmem>>
      %dma_wait3A_1070 = arith.constant 0 : i32
      %dma_wait3A_1071 = arith.constant 0 : i32
      %dma_wait3A_1072 = tpu.memref_slice %arg2[%dma_wait3A_1070, %dma_wait3A_1071] : memref<100001x128xf32, #tpu.memory_space<hbm>> -> memref<104x128xf32, #tpu.memory_space<hbm>>
      %dma_wait3A_1073 = tpu.memref_slice %arg8[%dma_wait3A_1065] : memref<8x!tpu.dma_semaphore, #tpu.memory_space<semaphore_mem>> -> memref<1x!tpu.dma_semaphore, #tpu.memory_space<semaphore_mem>>
      %dma_wait3A_1074 = tpu.memref_squeeze %dma_wait3A_1073 : memref<1x!tpu.dma_semaphore, #tpu.memory_space<semaphore_mem>> -> memref<!tpu.dma_semaphore, #tpu.memory_space<semaphore_mem>>
      %dma_wait3A_1075 = arith.constant 0 : i32
      %dma_wait3A_1076 = arith.constant 0 : i32
      %dma_wait3A_1077 = tpu.memref_slice %arg6[%dma_wait3A_1064, %dma_wait3A_1075, %dma_wait3A_1076] : memref<8x104x128xf32, #tpu.memory_space<vmem>> -> memref<1x104x128xf32, #tpu.memory_space<vmem>>
      %dma_wait3A_1078 = tpu.memref_squeeze %dma_wait3A_1077 : memref<1x104x128xf32, #tpu.memory_space<vmem>> -> memref<104x128xf32, #tpu.memory_space<vmem>>
      %dma_wait3A_1079 = arith.constant 0 : i32
      %dma_wait3A_1080 = arith.constant 0 : i32
      %dma_wait3A_1081 = tpu.memref_slice %arg2[%dma_wait3A_1079, %dma_wait3A_1080] : memref<100001x128xf32, #tpu.memory_space<hbm>> -> memref<104x128xf32, #tpu.memory_space<hbm>>
      tpu.wait_dma2 semaphore(%dma_wait3A_1074 : memref<!tpu.dma_semaphore, #tpu.memory_space<semaphore_mem>>) src(%dma_wait3A_1081 : memref<104x128xf32, #tpu.memory_space<hbm>>) dst(%dma_wait3A_1078 : memref<104x128xf32, #tpu.memory_space<vmem>>)
      %add3A_1082 = arith.constant 4 : i32
      %add3A_1083 = arith.addi %add3A_1026, %add3A_1082 : i32
      %dma_start3A_1084 = arith.constant 6 : i32
      %dma_start3A_1085 = arith.constant 6 : i32
      %dma_start3A_1086 = arith.constant 0 : i32
      %dma_start3A_1087 = arith.constant 0 : i32
      %dma_start3A_1088 = tpu.memref_slice %arg6[%dma_start3A_1084, %dma_start3A_1086, %dma_start3A_1087] : memref<8x104x128xf32, #tpu.memory_space<vmem>> -> memref<1x104x128xf32, #tpu.memory_space<vmem>>
      %dma_start3A_1089 = tpu.memref_squeeze %dma_start3A_1088 : memref<1x104x128xf32, #tpu.memory_space<vmem>> -> memref<104x128xf32, #tpu.memory_space<vmem>>
      %dma_start3A_1090 = arith.constant 0 : i32
      %dma_start3A_1091 = tpu.memref_slice %arg5[%add3A_1083, %dma_start3A_1090] : memref<32x104xi32, #tpu.memory_space<vmem>> -> memref<1x104xi32, #tpu.memory_space<vmem>>
      %dma_start3A_1092 = tpu.memref_squeeze %dma_start3A_1091 : memref<1x104xi32, #tpu.memory_space<vmem>> -> memref<104xi32, #tpu.memory_space<vmem>>
      %dma_start3A_1093 = arith.constant 0 : i32
      %dma_start3A_1094 = arith.constant 0 : i32
      %dma_start3A_1095 = tpu.memref_slice %arg2[%dma_start3A_1093, %dma_start3A_1094] : memref<100001x128xf32, #tpu.memory_space<hbm>> -> memref<100001x128xf32, #tpu.memory_space<hbm>>
      %dma_start3A_1096 = tpu.memref_slice %arg7[%dma_start3A_1085] : memref<8x!tpu.dma_semaphore, #tpu.memory_space<semaphore_mem>> -> memref<1x!tpu.dma_semaphore, #tpu.memory_space<semaphore_mem>>
      %dma_start3A_1097 = tpu.memref_squeeze %dma_start3A_1096 : memref<1x!tpu.dma_semaphore, #tpu.memory_space<semaphore_mem>> -> memref<!tpu.dma_semaphore, #tpu.memory_space<semaphore_mem>>
      tpu.enqueue_indirect_dma source(%dma_start3A_1095 : memref<100001x128xf32, #tpu.memory_space<hbm>>) target(%dma_start3A_1089 : memref<104x128xf32, #tpu.memory_space<vmem>>) offsets(%dma_start3A_1092 : memref<104xi32, #tpu.memory_space<vmem>>) semaphore(%dma_start3A_1097 : memref<!tpu.dma_semaphore, #tpu.memory_space<semaphore_mem>>)
      %mul3A_1098 = arith.constant 8 : i32
      %mul3A_1099 = arith.muli %scan3A_558, %mul3A_1098 : i32
      %add3A_1100 = arith.constant 4 : i32
      %add3A_1101 = arith.addi %add3A_1100, %mul3A_1099 : i32
      %add3A_1102 = arith.constant 7 : i32
      %add3A_1103 = arith.addi %add3A_1101, %add3A_1102 : i32
      %dma_wait3A_1104 = arith.constant 3 : i32
      %dma_wait3A_1105 = arith.constant 3 : i32
      %dma_wait3A_1106 = arith.constant 0 : i32
      %dma_wait3A_1107 = arith.constant 0 : i32
      %dma_wait3A_1108 = tpu.memref_slice %arg6[%dma_wait3A_1104, %dma_wait3A_1106, %dma_wait3A_1107] : memref<8x104x128xf32, #tpu.memory_space<vmem>> -> memref<1x104x128xf32, #tpu.memory_space<vmem>>
      %dma_wait3A_1109 = tpu.memref_squeeze %dma_wait3A_1108 : memref<1x104x128xf32, #tpu.memory_space<vmem>> -> memref<104x128xf32, #tpu.memory_space<vmem>>
      %dma_wait3A_1110 = arith.constant 0 : i32
      %dma_wait3A_1111 = arith.constant 0 : i32
      %dma_wait3A_1112 = tpu.memref_slice %arg2[%dma_wait3A_1110, %dma_wait3A_1111] : memref<100001x128xf32, #tpu.memory_space<hbm>> -> memref<104x128xf32, #tpu.memory_space<hbm>>
      %dma_wait3A_1113 = tpu.memref_slice %arg7[%dma_wait3A_1105] : memref<8x!tpu.dma_semaphore, #tpu.memory_space<semaphore_mem>> -> memref<1x!tpu.dma_semaphore, #tpu.memory_space<semaphore_mem>>
      %dma_wait3A_1114 = tpu.memref_squeeze %dma_wait3A_1113 : memref<1x!tpu.dma_semaphore, #tpu.memory_space<semaphore_mem>> -> memref<!tpu.dma_semaphore, #tpu.memory_space<semaphore_mem>>
      %dma_wait3A_1115 = arith.constant 0 : i32
      %dma_wait3A_1116 = arith.constant 0 : i32
      %dma_wait3A_1117 = tpu.memref_slice %arg6[%dma_wait3A_1104, %dma_wait3A_1115, %dma_wait3A_1116] : memref<8x104x128xf32, #tpu.memory_space<vmem>> -> memref<1x104x128xf32, #tpu.memory_space<vmem>>
      %dma_wait3A_1118 = tpu.memref_squeeze %dma_wait3A_1117 : memref<1x104x128xf32, #tpu.memory_space<vmem>> -> memref<104x128xf32, #tpu.memory_space<vmem>>
      %dma_wait3A_1119 = arith.constant 0 : i32
      %dma_wait3A_1120 = arith.constant 0 : i32
      %dma_wait3A_1121 = tpu.memref_slice %arg2[%dma_wait3A_1119, %dma_wait3A_1120] : memref<100001x128xf32, #tpu.memory_space<hbm>> -> memref<104x128xf32, #tpu.memory_space<hbm>>
      tpu.wait_dma2 semaphore(%dma_wait3A_1114 : memref<!tpu.dma_semaphore, #tpu.memory_space<semaphore_mem>>) src(%dma_wait3A_1121 : memref<104x128xf32, #tpu.memory_space<hbm>>) dst(%dma_wait3A_1118 : memref<104x128xf32, #tpu.memory_space<vmem>>)
      %mul3A_1122 = arith.constant 104 : i32
      %mul3A_1123 = arith.muli %add3A_1103, %mul3A_1122 : i32
      %add3A_1124 = arith.addi %mul3A_2, %mul3A_1123 : i32
      %dma_start3A_1125 = arith.constant 3 : i32
      %dma_start3A_1126 = arith.constant 3 : i32
      %dma_start3A_1127 = arith.constant 0 : i32
      %dma_start3A_1128 = arith.constant 0 : i32
      %dma_start3A_1129 = tpu.memref_slice %arg6[%dma_start3A_1125, %dma_start3A_1127, %dma_start3A_1128] : memref<8x104x128xf32, #tpu.memory_space<vmem>> -> memref<1x104x128xf32, #tpu.memory_space<vmem>>
      %dma_start3A_1130 = tpu.memref_squeeze %dma_start3A_1129 : memref<1x104x128xf32, #tpu.memory_space<vmem>> -> memref<104x128xf32, #tpu.memory_space<vmem>>
      %dma_start3A_1131 = arith.constant 0 : i32
      %dma_start3A_1132 = tpu.memref_slice %arg4[%add3A_1124, %dma_start3A_1131] : memref<106496x128xf32, #tpu.memory_space<hbm>> -> memref<104x128xf32, #tpu.memory_space<hbm>>
      %dma_start3A_1133 = tpu.memref_slice %arg8[%dma_start3A_1126] : memref<8x!tpu.dma_semaphore, #tpu.memory_space<semaphore_mem>> -> memref<1x!tpu.dma_semaphore, #tpu.memory_space<semaphore_mem>>
      %dma_start3A_1134 = tpu.memref_squeeze %dma_start3A_1133 : memref<1x!tpu.dma_semaphore, #tpu.memory_space<semaphore_mem>> -> memref<!tpu.dma_semaphore, #tpu.memory_space<semaphore_mem>>
      %dma_start3A_1135 = arith.constant 0 : i32
      %dma_start3A_1136 = tpu.memref_slice %arg4[%add3A_1124, %dma_start3A_1135] : memref<106496x128xf32, #tpu.memory_space<hbm>> -> memref<104x128xf32, #tpu.memory_space<hbm>>
      %dma_start3A_1137 = arith.constant 0 : i32
      %dma_start3A_1138 = arith.constant 0 : i32
      %dma_start3A_1139 = tpu.memref_slice %arg6[%dma_start3A_1125, %dma_start3A_1137, %dma_start3A_1138] : memref<8x104x128xf32, #tpu.memory_space<vmem>> -> memref<1x104x128xf32, #tpu.memory_space<vmem>>
      %dma_start3A_1140 = tpu.memref_squeeze %dma_start3A_1139 : memref<1x104x128xf32, #tpu.memory_space<vmem>> -> memref<104x128xf32, #tpu.memory_space<vmem>>
      tpu.enqueue_dma source(%dma_start3A_1140 : memref<104x128xf32, #tpu.memory_space<vmem>>) target(%dma_start3A_1136 : memref<104x128xf32, #tpu.memory_space<hbm>>) target_semaphore(%dma_start3A_1134 : memref<!tpu.dma_semaphore, #tpu.memory_space<semaphore_mem>>)
      %dma_wait3A_1141 = arith.constant 7 : i32
      %dma_wait3A_1142 = arith.constant 7 : i32
      %dma_wait3A_1143 = arith.constant 0 : i32
      %dma_wait3A_1144 = arith.constant 0 : i32
      %dma_wait3A_1145 = tpu.memref_slice %arg6[%dma_wait3A_1141, %dma_wait3A_1143, %dma_wait3A_1144] : memref<8x104x128xf32, #tpu.memory_space<vmem>> -> memref<1x104x128xf32, #tpu.memory_space<vmem>>
      %dma_wait3A_1146 = tpu.memref_squeeze %dma_wait3A_1145 : memref<1x104x128xf32, #tpu.memory_space<vmem>> -> memref<104x128xf32, #tpu.memory_space<vmem>>
      %dma_wait3A_1147 = arith.constant 0 : i32
      %dma_wait3A_1148 = arith.constant 0 : i32
      %dma_wait3A_1149 = tpu.memref_slice %arg2[%dma_wait3A_1147, %dma_wait3A_1148] : memref<100001x128xf32, #tpu.memory_space<hbm>> -> memref<104x128xf32, #tpu.memory_space<hbm>>
      %dma_wait3A_1150 = tpu.memref_slice %arg8[%dma_wait3A_1142] : memref<8x!tpu.dma_semaphore, #tpu.memory_space<semaphore_mem>> -> memref<1x!tpu.dma_semaphore, #tpu.memory_space<semaphore_mem>>
      %dma_wait3A_1151 = tpu.memref_squeeze %dma_wait3A_1150 : memref<1x!tpu.dma_semaphore, #tpu.memory_space<semaphore_mem>> -> memref<!tpu.dma_semaphore, #tpu.memory_space<semaphore_mem>>
      %dma_wait3A_1152 = arith.constant 0 : i32
      %dma_wait3A_1153 = arith.constant 0 : i32
      %dma_wait3A_1154 = tpu.memref_slice %arg6[%dma_wait3A_1141, %dma_wait3A_1152, %dma_wait3A_1153] : memref<8x104x128xf32, #tpu.memory_space<vmem>> -> memref<1x104x128xf32, #tpu.memory_space<vmem>>
      %dma_wait3A_1155 = tpu.memref_squeeze %dma_wait3A_1154 : memref<1x104x128xf32, #tpu.memory_space<vmem>> -> memref<104x128xf32, #tpu.memory_space<vmem>>
      %dma_wait3A_1156 = arith.constant 0 : i32
      %dma_wait3A_1157 = arith.constant 0 : i32
      %dma_wait3A_1158 = tpu.memref_slice %arg2[%dma_wait3A_1156, %dma_wait3A_1157] : memref<100001x128xf32, #tpu.memory_space<hbm>> -> memref<104x128xf32, #tpu.memory_space<hbm>>
      tpu.wait_dma2 semaphore(%dma_wait3A_1151 : memref<!tpu.dma_semaphore, #tpu.memory_space<semaphore_mem>>) src(%dma_wait3A_1158 : memref<104x128xf32, #tpu.memory_space<hbm>>) dst(%dma_wait3A_1155 : memref<104x128xf32, #tpu.memory_space<vmem>>)
      %add3A_1159 = arith.constant 4 : i32
      %add3A_1160 = arith.addi %add3A_1103, %add3A_1159 : i32
      %dma_start3A_1161 = arith.constant 7 : i32
      %dma_start3A_1162 = arith.constant 7 : i32
      %dma_start3A_1163 = arith.constant 0 : i32
      %dma_start3A_1164 = arith.constant 0 : i32
      %dma_start3A_1165 = tpu.memref_slice %arg6[%dma_start3A_1161, %dma_start3A_1163, %dma_start3A_1164] : memref<8x104x128xf32, #tpu.memory_space<vmem>> -> memref<1x104x128xf32, #tpu.memory_space<vmem>>
      %dma_start3A_1166 = tpu.memref_squeeze %dma_start3A_1165 : memref<1x104x128xf32, #tpu.memory_space<vmem>> -> memref<104x128xf32, #tpu.memory_space<vmem>>
      %dma_start3A_1167 = arith.constant 0 : i32
      %dma_start3A_1168 = tpu.memref_slice %arg5[%add3A_1160, %dma_start3A_1167] : memref<32x104xi32, #tpu.memory_space<vmem>> -> memref<1x104xi32, #tpu.memory_space<vmem>>
      %dma_start3A_1169 = tpu.memref_squeeze %dma_start3A_1168 : memref<1x104xi32, #tpu.memory_space<vmem>> -> memref<104xi32, #tpu.memory_space<vmem>>
      %dma_start3A_1170 = arith.constant 0 : i32
      %dma_start3A_1171 = arith.constant 0 : i32
      %dma_start3A_1172 = tpu.memref_slice %arg2[%dma_start3A_1170, %dma_start3A_1171] : memref<100001x128xf32, #tpu.memory_space<hbm>> -> memref<100001x128xf32, #tpu.memory_space<hbm>>
      %dma_start3A_1173 = tpu.memref_slice %arg7[%dma_start3A_1162] : memref<8x!tpu.dma_semaphore, #tpu.memory_space<semaphore_mem>> -> memref<1x!tpu.dma_semaphore, #tpu.memory_space<semaphore_mem>>
      %dma_start3A_1174 = tpu.memref_squeeze %dma_start3A_1173 : memref<1x!tpu.dma_semaphore, #tpu.memory_space<semaphore_mem>> -> memref<!tpu.dma_semaphore, #tpu.memory_space<semaphore_mem>>
      tpu.enqueue_indirect_dma source(%dma_start3A_1172 : memref<100001x128xf32, #tpu.memory_space<hbm>>) target(%dma_start3A_1166 : memref<104x128xf32, #tpu.memory_space<vmem>>) offsets(%dma_start3A_1169 : memref<104xi32, #tpu.memory_space<vmem>>) semaphore(%dma_start3A_1174 : memref<!tpu.dma_semaphore, #tpu.memory_space<semaphore_mem>>)
    }
    %scan3A_269 = arith.constant 3 : i32
    %dma_wait3A_270 = arith.constant 4 : i32
    %dma_wait3A_271 = arith.constant 4 : i32
    %dma_wait3A_272 = arith.constant 0 : i32
    %dma_wait3A_273 = arith.constant 0 : i32
    %dma_wait3A_274 = tpu.memref_slice %arg6[%dma_wait3A_270, %dma_wait3A_272, %dma_wait3A_273] : memref<8x104x128xf32, #tpu.memory_space<vmem>> -> memref<1x104x128xf32, #tpu.memory_space<vmem>>
    %dma_wait3A_275 = tpu.memref_squeeze %dma_wait3A_274 : memref<1x104x128xf32, #tpu.memory_space<vmem>> -> memref<104x128xf32, #tpu.memory_space<vmem>>
    %dma_wait3A_276 = arith.constant 0 : i32
    %dma_wait3A_277 = arith.constant 0 : i32
    %dma_wait3A_278 = tpu.memref_slice %arg2[%dma_wait3A_276, %dma_wait3A_277] : memref<100001x128xf32, #tpu.memory_space<hbm>> -> memref<104x128xf32, #tpu.memory_space<hbm>>
    %dma_wait3A_279 = tpu.memref_slice %arg7[%dma_wait3A_271] : memref<8x!tpu.dma_semaphore, #tpu.memory_space<semaphore_mem>> -> memref<1x!tpu.dma_semaphore, #tpu.memory_space<semaphore_mem>>
    %dma_wait3A_280 = tpu.memref_squeeze %dma_wait3A_279 : memref<1x!tpu.dma_semaphore, #tpu.memory_space<semaphore_mem>> -> memref<!tpu.dma_semaphore, #tpu.memory_space<semaphore_mem>>
    %dma_wait3A_281 = arith.constant 0 : i32
    %dma_wait3A_282 = arith.constant 0 : i32
    %dma_wait3A_283 = tpu.memref_slice %arg6[%dma_wait3A_270, %dma_wait3A_281, %dma_wait3A_282] : memref<8x104x128xf32, #tpu.memory_space<vmem>> -> memref<1x104x128xf32, #tpu.memory_space<vmem>>
    %dma_wait3A_284 = tpu.memref_squeeze %dma_wait3A_283 : memref<1x104x128xf32, #tpu.memory_space<vmem>> -> memref<104x128xf32, #tpu.memory_space<vmem>>
    %dma_wait3A_285 = arith.constant 0 : i32
    %dma_wait3A_286 = arith.constant 0 : i32
    %dma_wait3A_287 = tpu.memref_slice %arg2[%dma_wait3A_285, %dma_wait3A_286] : memref<100001x128xf32, #tpu.memory_space<hbm>> -> memref<104x128xf32, #tpu.memory_space<hbm>>
    tpu.wait_dma2 semaphore(%dma_wait3A_280 : memref<!tpu.dma_semaphore, #tpu.memory_space<semaphore_mem>>) src(%dma_wait3A_287 : memref<104x128xf32, #tpu.memory_space<hbm>>) dst(%dma_wait3A_284 : memref<104x128xf32, #tpu.memory_space<vmem>>)
    %add3A_288 = arith.constant 2912 : i32
    %add3A_289 = arith.addi %mul3A_2, %add3A_288 : i32
    %dma_start3A_290 = arith.constant 4 : i32
    %dma_start3A_291 = arith.constant 4 : i32
    %dma_start3A_292 = arith.constant 0 : i32
    %dma_start3A_293 = arith.constant 0 : i32
    %dma_start3A_294 = tpu.memref_slice %arg6[%dma_start3A_290, %dma_start3A_292, %dma_start3A_293] : memref<8x104x128xf32, #tpu.memory_space<vmem>> -> memref<1x104x128xf32, #tpu.memory_space<vmem>>
    %dma_start3A_295 = tpu.memref_squeeze %dma_start3A_294 : memref<1x104x128xf32, #tpu.memory_space<vmem>> -> memref<104x128xf32, #tpu.memory_space<vmem>>
    %dma_start3A_296 = arith.constant 0 : i32
    %dma_start3A_297 = tpu.memref_slice %arg4[%add3A_289, %dma_start3A_296] : memref<106496x128xf32, #tpu.memory_space<hbm>> -> memref<104x128xf32, #tpu.memory_space<hbm>>
    %dma_start3A_298 = tpu.memref_slice %arg8[%dma_start3A_291] : memref<8x!tpu.dma_semaphore, #tpu.memory_space<semaphore_mem>> -> memref<1x!tpu.dma_semaphore, #tpu.memory_space<semaphore_mem>>
    %dma_start3A_299 = tpu.memref_squeeze %dma_start3A_298 : memref<1x!tpu.dma_semaphore, #tpu.memory_space<semaphore_mem>> -> memref<!tpu.dma_semaphore, #tpu.memory_space<semaphore_mem>>
    %dma_start3A_300 = arith.constant 0 : i32
    %dma_start3A_301 = tpu.memref_slice %arg4[%add3A_289, %dma_start3A_300] : memref<106496x128xf32, #tpu.memory_space<hbm>> -> memref<104x128xf32, #tpu.memory_space<hbm>>
    %dma_start3A_302 = arith.constant 0 : i32
    %dma_start3A_303 = arith.constant 0 : i32
    %dma_start3A_304 = tpu.memref_slice %arg6[%dma_start3A_290, %dma_start3A_302, %dma_start3A_303] : memref<8x104x128xf32, #tpu.memory_space<vmem>> -> memref<1x104x128xf32, #tpu.memory_space<vmem>>
    %dma_start3A_305 = tpu.memref_squeeze %dma_start3A_304 : memref<1x104x128xf32, #tpu.memory_space<vmem>> -> memref<104x128xf32, #tpu.memory_space<vmem>>
    tpu.enqueue_dma source(%dma_start3A_305 : memref<104x128xf32, #tpu.memory_space<vmem>>) target(%dma_start3A_301 : memref<104x128xf32, #tpu.memory_space<hbm>>) target_semaphore(%dma_start3A_299 : memref<!tpu.dma_semaphore, #tpu.memory_space<semaphore_mem>>)
    %dma_wait3A_306 = arith.constant 5 : i32
    %dma_wait3A_307 = arith.constant 5 : i32
    %dma_wait3A_308 = arith.constant 0 : i32
    %dma_wait3A_309 = arith.constant 0 : i32
    %dma_wait3A_310 = tpu.memref_slice %arg6[%dma_wait3A_306, %dma_wait3A_308, %dma_wait3A_309] : memref<8x104x128xf32, #tpu.memory_space<vmem>> -> memref<1x104x128xf32, #tpu.memory_space<vmem>>
    %dma_wait3A_311 = tpu.memref_squeeze %dma_wait3A_310 : memref<1x104x128xf32, #tpu.memory_space<vmem>> -> memref<104x128xf32, #tpu.memory_space<vmem>>
    %dma_wait3A_312 = arith.constant 0 : i32
    %dma_wait3A_313 = arith.constant 0 : i32
    %dma_wait3A_314 = tpu.memref_slice %arg2[%dma_wait3A_312, %dma_wait3A_313] : memref<100001x128xf32, #tpu.memory_space<hbm>> -> memref<104x128xf32, #tpu.memory_space<hbm>>
    %dma_wait3A_315 = tpu.memref_slice %arg7[%dma_wait3A_307] : memref<8x!tpu.dma_semaphore, #tpu.memory_space<semaphore_mem>> -> memref<1x!tpu.dma_semaphore, #tpu.memory_space<semaphore_mem>>
    %dma_wait3A_316 = tpu.memref_squeeze %dma_wait3A_315 : memref<1x!tpu.dma_semaphore, #tpu.memory_space<semaphore_mem>> -> memref<!tpu.dma_semaphore, #tpu.memory_space<semaphore_mem>>
    %dma_wait3A_317 = arith.constant 0 : i32
    %dma_wait3A_318 = arith.constant 0 : i32
    %dma_wait3A_319 = tpu.memref_slice %arg6[%dma_wait3A_306, %dma_wait3A_317, %dma_wait3A_318] : memref<8x104x128xf32, #tpu.memory_space<vmem>> -> memref<1x104x128xf32, #tpu.memory_space<vmem>>
    %dma_wait3A_320 = tpu.memref_squeeze %dma_wait3A_319 : memref<1x104x128xf32, #tpu.memory_space<vmem>> -> memref<104x128xf32, #tpu.memory_space<vmem>>
    %dma_wait3A_321 = arith.constant 0 : i32
    %dma_wait3A_322 = arith.constant 0 : i32
    %dma_wait3A_323 = tpu.memref_slice %arg2[%dma_wait3A_321, %dma_wait3A_322] : memref<100001x128xf32, #tpu.memory_space<hbm>> -> memref<104x128xf32, #tpu.memory_space<hbm>>
    tpu.wait_dma2 semaphore(%dma_wait3A_316 : memref<!tpu.dma_semaphore, #tpu.memory_space<semaphore_mem>>) src(%dma_wait3A_323 : memref<104x128xf32, #tpu.memory_space<hbm>>) dst(%dma_wait3A_320 : memref<104x128xf32, #tpu.memory_space<vmem>>)
    %add3A_324 = arith.constant 3016 : i32
    %add3A_325 = arith.addi %mul3A_2, %add3A_324 : i32
    %dma_start3A_326 = arith.constant 5 : i32
    %dma_start3A_327 = arith.constant 5 : i32
    %dma_start3A_328 = arith.constant 0 : i32
    %dma_start3A_329 = arith.constant 0 : i32
    %dma_start3A_330 = tpu.memref_slice %arg6[%dma_start3A_326, %dma_start3A_328, %dma_start3A_329] : memref<8x104x128xf32, #tpu.memory_space<vmem>> -> memref<1x104x128xf32, #tpu.memory_space<vmem>>
    %dma_start3A_331 = tpu.memref_squeeze %dma_start3A_330 : memref<1x104x128xf32, #tpu.memory_space<vmem>> -> memref<104x128xf32, #tpu.memory_space<vmem>>
    %dma_start3A_332 = arith.constant 0 : i32
    %dma_start3A_333 = tpu.memref_slice %arg4[%add3A_325, %dma_start3A_332] : memref<106496x128xf32, #tpu.memory_space<hbm>> -> memref<104x128xf32, #tpu.memory_space<hbm>>
    %dma_start3A_334 = tpu.memref_slice %arg8[%dma_start3A_327] : memref<8x!tpu.dma_semaphore, #tpu.memory_space<semaphore_mem>> -> memref<1x!tpu.dma_semaphore, #tpu.memory_space<semaphore_mem>>
    %dma_start3A_335 = tpu.memref_squeeze %dma_start3A_334 : memref<1x!tpu.dma_semaphore, #tpu.memory_space<semaphore_mem>> -> memref<!tpu.dma_semaphore, #tpu.memory_space<semaphore_mem>>
    %dma_start3A_336 = arith.constant 0 : i32
    %dma_start3A_337 = tpu.memref_slice %arg4[%add3A_325, %dma_start3A_336] : memref<106496x128xf32, #tpu.memory_space<hbm>> -> memref<104x128xf32, #tpu.memory_space<hbm>>
    %dma_start3A_338 = arith.constant 0 : i32
    %dma_start3A_339 = arith.constant 0 : i32
    %dma_start3A_340 = tpu.memref_slice %arg6[%dma_start3A_326, %dma_start3A_338, %dma_start3A_339] : memref<8x104x128xf32, #tpu.memory_space<vmem>> -> memref<1x104x128xf32, #tpu.memory_space<vmem>>
    %dma_start3A_341 = tpu.memref_squeeze %dma_start3A_340 : memref<1x104x128xf32, #tpu.memory_space<vmem>> -> memref<104x128xf32, #tpu.memory_space<vmem>>
    tpu.enqueue_dma source(%dma_start3A_341 : memref<104x128xf32, #tpu.memory_space<vmem>>) target(%dma_start3A_337 : memref<104x128xf32, #tpu.memory_space<hbm>>) target_semaphore(%dma_start3A_335 : memref<!tpu.dma_semaphore, #tpu.memory_space<semaphore_mem>>)
    %dma_wait3A_342 = arith.constant 6 : i32
    %dma_wait3A_343 = arith.constant 6 : i32
    %dma_wait3A_344 = arith.constant 0 : i32
    %dma_wait3A_345 = arith.constant 0 : i32
    %dma_wait3A_346 = tpu.memref_slice %arg6[%dma_wait3A_342, %dma_wait3A_344, %dma_wait3A_345] : memref<8x104x128xf32, #tpu.memory_space<vmem>> -> memref<1x104x128xf32, #tpu.memory_space<vmem>>
    %dma_wait3A_347 = tpu.memref_squeeze %dma_wait3A_346 : memref<1x104x128xf32, #tpu.memory_space<vmem>> -> memref<104x128xf32, #tpu.memory_space<vmem>>
    %dma_wait3A_348 = arith.constant 0 : i32
    %dma_wait3A_349 = arith.constant 0 : i32
    %dma_wait3A_350 = tpu.memref_slice %arg2[%dma_wait3A_348, %dma_wait3A_349] : memref<100001x128xf32, #tpu.memory_space<hbm>> -> memref<104x128xf32, #tpu.memory_space<hbm>>
    %dma_wait3A_351 = tpu.memref_slice %arg7[%dma_wait3A_343] : memref<8x!tpu.dma_semaphore, #tpu.memory_space<semaphore_mem>> -> memref<1x!tpu.dma_semaphore, #tpu.memory_space<semaphore_mem>>
    %dma_wait3A_352 = tpu.memref_squeeze %dma_wait3A_351 : memref<1x!tpu.dma_semaphore, #tpu.memory_space<semaphore_mem>> -> memref<!tpu.dma_semaphore, #tpu.memory_space<semaphore_mem>>
    %dma_wait3A_353 = arith.constant 0 : i32
    %dma_wait3A_354 = arith.constant 0 : i32
    %dma_wait3A_355 = tpu.memref_slice %arg6[%dma_wait3A_342, %dma_wait3A_353, %dma_wait3A_354] : memref<8x104x128xf32, #tpu.memory_space<vmem>> -> memref<1x104x128xf32, #tpu.memory_space<vmem>>
    %dma_wait3A_356 = tpu.memref_squeeze %dma_wait3A_355 : memref<1x104x128xf32, #tpu.memory_space<vmem>> -> memref<104x128xf32, #tpu.memory_space<vmem>>
    %dma_wait3A_357 = arith.constant 0 : i32
    %dma_wait3A_358 = arith.constant 0 : i32
    %dma_wait3A_359 = tpu.memref_slice %arg2[%dma_wait3A_357, %dma_wait3A_358] : memref<100001x128xf32, #tpu.memory_space<hbm>> -> memref<104x128xf32, #tpu.memory_space<hbm>>
    tpu.wait_dma2 semaphore(%dma_wait3A_352 : memref<!tpu.dma_semaphore, #tpu.memory_space<semaphore_mem>>) src(%dma_wait3A_359 : memref<104x128xf32, #tpu.memory_space<hbm>>) dst(%dma_wait3A_356 : memref<104x128xf32, #tpu.memory_space<vmem>>)
    %add3A_360 = arith.constant 3120 : i32
    %add3A_361 = arith.addi %mul3A_2, %add3A_360 : i32
    %dma_start3A_362 = arith.constant 6 : i32
    %dma_start3A_363 = arith.constant 6 : i32
    %dma_start3A_364 = arith.constant 0 : i32
    %dma_start3A_365 = arith.constant 0 : i32
    %dma_start3A_366 = tpu.memref_slice %arg6[%dma_start3A_362, %dma_start3A_364, %dma_start3A_365] : memref<8x104x128xf32, #tpu.memory_space<vmem>> -> memref<1x104x128xf32, #tpu.memory_space<vmem>>
    %dma_start3A_367 = tpu.memref_squeeze %dma_start3A_366 : memref<1x104x128xf32, #tpu.memory_space<vmem>> -> memref<104x128xf32, #tpu.memory_space<vmem>>
    %dma_start3A_368 = arith.constant 0 : i32
    %dma_start3A_369 = tpu.memref_slice %arg4[%add3A_361, %dma_start3A_368] : memref<106496x128xf32, #tpu.memory_space<hbm>> -> memref<104x128xf32, #tpu.memory_space<hbm>>
    %dma_start3A_370 = tpu.memref_slice %arg8[%dma_start3A_363] : memref<8x!tpu.dma_semaphore, #tpu.memory_space<semaphore_mem>> -> memref<1x!tpu.dma_semaphore, #tpu.memory_space<semaphore_mem>>
    %dma_start3A_371 = tpu.memref_squeeze %dma_start3A_370 : memref<1x!tpu.dma_semaphore, #tpu.memory_space<semaphore_mem>> -> memref<!tpu.dma_semaphore, #tpu.memory_space<semaphore_mem>>
    %dma_start3A_372 = arith.constant 0 : i32
    %dma_start3A_373 = tpu.memref_slice %arg4[%add3A_361, %dma_start3A_372] : memref<106496x128xf32, #tpu.memory_space<hbm>> -> memref<104x128xf32, #tpu.memory_space<hbm>>
    %dma_start3A_374 = arith.constant 0 : i32
    %dma_start3A_375 = arith.constant 0 : i32
    %dma_start3A_376 = tpu.memref_slice %arg6[%dma_start3A_362, %dma_start3A_374, %dma_start3A_375] : memref<8x104x128xf32, #tpu.memory_space<vmem>> -> memref<1x104x128xf32, #tpu.memory_space<vmem>>
    %dma_start3A_377 = tpu.memref_squeeze %dma_start3A_376 : memref<1x104x128xf32, #tpu.memory_space<vmem>> -> memref<104x128xf32, #tpu.memory_space<vmem>>
    tpu.enqueue_dma source(%dma_start3A_377 : memref<104x128xf32, #tpu.memory_space<vmem>>) target(%dma_start3A_373 : memref<104x128xf32, #tpu.memory_space<hbm>>) target_semaphore(%dma_start3A_371 : memref<!tpu.dma_semaphore, #tpu.memory_space<semaphore_mem>>)
    %dma_wait3A_378 = arith.constant 7 : i32
    %dma_wait3A_379 = arith.constant 7 : i32
    %dma_wait3A_380 = arith.constant 0 : i32
    %dma_wait3A_381 = arith.constant 0 : i32
    %dma_wait3A_382 = tpu.memref_slice %arg6[%dma_wait3A_378, %dma_wait3A_380, %dma_wait3A_381] : memref<8x104x128xf32, #tpu.memory_space<vmem>> -> memref<1x104x128xf32, #tpu.memory_space<vmem>>
    %dma_wait3A_383 = tpu.memref_squeeze %dma_wait3A_382 : memref<1x104x128xf32, #tpu.memory_space<vmem>> -> memref<104x128xf32, #tpu.memory_space<vmem>>
    %dma_wait3A_384 = arith.constant 0 : i32
    %dma_wait3A_385 = arith.constant 0 : i32
    %dma_wait3A_386 = tpu.memref_slice %arg2[%dma_wait3A_384, %dma_wait3A_385] : memref<100001x128xf32, #tpu.memory_space<hbm>> -> memref<104x128xf32, #tpu.memory_space<hbm>>
    %dma_wait3A_387 = tpu.memref_slice %arg7[%dma_wait3A_379] : memref<8x!tpu.dma_semaphore, #tpu.memory_space<semaphore_mem>> -> memref<1x!tpu.dma_semaphore, #tpu.memory_space<semaphore_mem>>
    %dma_wait3A_388 = tpu.memref_squeeze %dma_wait3A_387 : memref<1x!tpu.dma_semaphore, #tpu.memory_space<semaphore_mem>> -> memref<!tpu.dma_semaphore, #tpu.memory_space<semaphore_mem>>
    %dma_wait3A_389 = arith.constant 0 : i32
    %dma_wait3A_390 = arith.constant 0 : i32
    %dma_wait3A_391 = tpu.memref_slice %arg6[%dma_wait3A_378, %dma_wait3A_389, %dma_wait3A_390] : memref<8x104x128xf32, #tpu.memory_space<vmem>> -> memref<1x104x128xf32, #tpu.memory_space<vmem>>
    %dma_wait3A_392 = tpu.memref_squeeze %dma_wait3A_391 : memref<1x104x128xf32, #tpu.memory_space<vmem>> -> memref<104x128xf32, #tpu.memory_space<vmem>>
    %dma_wait3A_393 = arith.constant 0 : i32
    %dma_wait3A_394 = arith.constant 0 : i32
    %dma_wait3A_395 = tpu.memref_slice %arg2[%dma_wait3A_393, %dma_wait3A_394] : memref<100001x128xf32, #tpu.memory_space<hbm>> -> memref<104x128xf32, #tpu.memory_space<hbm>>
    tpu.wait_dma2 semaphore(%dma_wait3A_388 : memref<!tpu.dma_semaphore, #tpu.memory_space<semaphore_mem>>) src(%dma_wait3A_395 : memref<104x128xf32, #tpu.memory_space<hbm>>) dst(%dma_wait3A_392 : memref<104x128xf32, #tpu.memory_space<vmem>>)
    %add3A_396 = arith.constant 3224 : i32
    %add3A_397 = arith.addi %mul3A_2, %add3A_396 : i32
    %dma_start3A_398 = arith.constant 7 : i32
    %dma_start3A_399 = arith.constant 7 : i32
    %dma_start3A_400 = arith.constant 0 : i32
    %dma_start3A_401 = arith.constant 0 : i32
    %dma_start3A_402 = tpu.memref_slice %arg6[%dma_start3A_398, %dma_start3A_400, %dma_start3A_401] : memref<8x104x128xf32, #tpu.memory_space<vmem>> -> memref<1x104x128xf32, #tpu.memory_space<vmem>>
    %dma_start3A_403 = tpu.memref_squeeze %dma_start3A_402 : memref<1x104x128xf32, #tpu.memory_space<vmem>> -> memref<104x128xf32, #tpu.memory_space<vmem>>
    %dma_start3A_404 = arith.constant 0 : i32
    %dma_start3A_405 = tpu.memref_slice %arg4[%add3A_397, %dma_start3A_404] : memref<106496x128xf32, #tpu.memory_space<hbm>> -> memref<104x128xf32, #tpu.memory_space<hbm>>
    %dma_start3A_406 = tpu.memref_slice %arg8[%dma_start3A_399] : memref<8x!tpu.dma_semaphore, #tpu.memory_space<semaphore_mem>> -> memref<1x!tpu.dma_semaphore, #tpu.memory_space<semaphore_mem>>
    %dma_start3A_407 = tpu.memref_squeeze %dma_start3A_406 : memref<1x!tpu.dma_semaphore, #tpu.memory_space<semaphore_mem>> -> memref<!tpu.dma_semaphore, #tpu.memory_space<semaphore_mem>>
    %dma_start3A_408 = arith.constant 0 : i32
    %dma_start3A_409 = tpu.memref_slice %arg4[%add3A_397, %dma_start3A_408] : memref<106496x128xf32, #tpu.memory_space<hbm>> -> memref<104x128xf32, #tpu.memory_space<hbm>>
    %dma_start3A_410 = arith.constant 0 : i32
    %dma_start3A_411 = arith.constant 0 : i32
    %dma_start3A_412 = tpu.memref_slice %arg6[%dma_start3A_398, %dma_start3A_410, %dma_start3A_411] : memref<8x104x128xf32, #tpu.memory_space<vmem>> -> memref<1x104x128xf32, #tpu.memory_space<vmem>>
    %dma_start3A_413 = tpu.memref_squeeze %dma_start3A_412 : memref<1x104x128xf32, #tpu.memory_space<vmem>> -> memref<104x128xf32, #tpu.memory_space<vmem>>
    tpu.enqueue_dma source(%dma_start3A_413 : memref<104x128xf32, #tpu.memory_space<vmem>>) target(%dma_start3A_409 : memref<104x128xf32, #tpu.memory_space<hbm>>) target_semaphore(%dma_start3A_407 : memref<!tpu.dma_semaphore, #tpu.memory_space<semaphore_mem>>)
    %dma_wait3A_414 = arith.constant 0 : i32
    %dma_wait3A_415 = arith.constant 0 : i32
    %dma_wait3A_416 = arith.constant 0 : i32
    %dma_wait3A_417 = arith.constant 0 : i32
    %dma_wait3A_418 = tpu.memref_slice %arg6[%dma_wait3A_414, %dma_wait3A_416, %dma_wait3A_417] : memref<8x104x128xf32, #tpu.memory_space<vmem>> -> memref<1x104x128xf32, #tpu.memory_space<vmem>>
    %dma_wait3A_419 = tpu.memref_squeeze %dma_wait3A_418 : memref<1x104x128xf32, #tpu.memory_space<vmem>> -> memref<104x128xf32, #tpu.memory_space<vmem>>
    %dma_wait3A_420 = arith.constant 0 : i32
    %dma_wait3A_421 = arith.constant 0 : i32
    %dma_wait3A_422 = tpu.memref_slice %arg2[%dma_wait3A_420, %dma_wait3A_421] : memref<100001x128xf32, #tpu.memory_space<hbm>> -> memref<104x128xf32, #tpu.memory_space<hbm>>
    %dma_wait3A_423 = tpu.memref_slice %arg8[%dma_wait3A_415] : memref<8x!tpu.dma_semaphore, #tpu.memory_space<semaphore_mem>> -> memref<1x!tpu.dma_semaphore, #tpu.memory_space<semaphore_mem>>
    %dma_wait3A_424 = tpu.memref_squeeze %dma_wait3A_423 : memref<1x!tpu.dma_semaphore, #tpu.memory_space<semaphore_mem>> -> memref<!tpu.dma_semaphore, #tpu.memory_space<semaphore_mem>>
    %dma_wait3A_425 = arith.constant 0 : i32
    %dma_wait3A_426 = arith.constant 0 : i32
    %dma_wait3A_427 = tpu.memref_slice %arg6[%dma_wait3A_414, %dma_wait3A_425, %dma_wait3A_426] : memref<8x104x128xf32, #tpu.memory_space<vmem>> -> memref<1x104x128xf32, #tpu.memory_space<vmem>>
    %dma_wait3A_428 = tpu.memref_squeeze %dma_wait3A_427 : memref<1x104x128xf32, #tpu.memory_space<vmem>> -> memref<104x128xf32, #tpu.memory_space<vmem>>
    %dma_wait3A_429 = arith.constant 0 : i32
    %dma_wait3A_430 = arith.constant 0 : i32
    %dma_wait3A_431 = tpu.memref_slice %arg2[%dma_wait3A_429, %dma_wait3A_430] : memref<100001x128xf32, #tpu.memory_space<hbm>> -> memref<104x128xf32, #tpu.memory_space<hbm>>
    tpu.wait_dma2 semaphore(%dma_wait3A_424 : memref<!tpu.dma_semaphore, #tpu.memory_space<semaphore_mem>>) src(%dma_wait3A_431 : memref<104x128xf32, #tpu.memory_space<hbm>>) dst(%dma_wait3A_428 : memref<104x128xf32, #tpu.memory_space<vmem>>)
    %dma_wait3A_432 = arith.constant 1 : i32
    %dma_wait3A_433 = arith.constant 1 : i32
    %dma_wait3A_434 = arith.constant 0 : i32
    %dma_wait3A_435 = arith.constant 0 : i32
    %dma_wait3A_436 = tpu.memref_slice %arg6[%dma_wait3A_432, %dma_wait3A_434, %dma_wait3A_435] : memref<8x104x128xf32, #tpu.memory_space<vmem>> -> memref<1x104x128xf32, #tpu.memory_space<vmem>>
    %dma_wait3A_437 = tpu.memref_squeeze %dma_wait3A_436 : memref<1x104x128xf32, #tpu.memory_space<vmem>> -> memref<104x128xf32, #tpu.memory_space<vmem>>
    %dma_wait3A_438 = arith.constant 0 : i32
    %dma_wait3A_439 = arith.constant 0 : i32
    %dma_wait3A_440 = tpu.memref_slice %arg2[%dma_wait3A_438, %dma_wait3A_439] : memref<100001x128xf32, #tpu.memory_space<hbm>> -> memref<104x128xf32, #tpu.memory_space<hbm>>
    %dma_wait3A_441 = tpu.memref_slice %arg8[%dma_wait3A_433] : memref<8x!tpu.dma_semaphore, #tpu.memory_space<semaphore_mem>> -> memref<1x!tpu.dma_semaphore, #tpu.memory_space<semaphore_mem>>
    %dma_wait3A_442 = tpu.memref_squeeze %dma_wait3A_441 : memref<1x!tpu.dma_semaphore, #tpu.memory_space<semaphore_mem>> -> memref<!tpu.dma_semaphore, #tpu.memory_space<semaphore_mem>>
    %dma_wait3A_443 = arith.constant 0 : i32
    %dma_wait3A_444 = arith.constant 0 : i32
    %dma_wait3A_445 = tpu.memref_slice %arg6[%dma_wait3A_432, %dma_wait3A_443, %dma_wait3A_444] : memref<8x104x128xf32, #tpu.memory_space<vmem>> -> memref<1x104x128xf32, #tpu.memory_space<vmem>>
    %dma_wait3A_446 = tpu.memref_squeeze %dma_wait3A_445 : memref<1x104x128xf32, #tpu.memory_space<vmem>> -> memref<104x128xf32, #tpu.memory_space<vmem>>
    %dma_wait3A_447 = arith.constant 0 : i32
    %dma_wait3A_448 = arith.constant 0 : i32
    %dma_wait3A_449 = tpu.memref_slice %arg2[%dma_wait3A_447, %dma_wait3A_448] : memref<100001x128xf32, #tpu.memory_space<hbm>> -> memref<104x128xf32, #tpu.memory_space<hbm>>
    tpu.wait_dma2 semaphore(%dma_wait3A_442 : memref<!tpu.dma_semaphore, #tpu.memory_space<semaphore_mem>>) src(%dma_wait3A_449 : memref<104x128xf32, #tpu.memory_space<hbm>>) dst(%dma_wait3A_446 : memref<104x128xf32, #tpu.memory_space<vmem>>)
    %dma_wait3A_450 = arith.constant 2 : i32
    %dma_wait3A_451 = arith.constant 2 : i32
    %dma_wait3A_452 = arith.constant 0 : i32
    %dma_wait3A_453 = arith.constant 0 : i32
    %dma_wait3A_454 = tpu.memref_slice %arg6[%dma_wait3A_450, %dma_wait3A_452, %dma_wait3A_453] : memref<8x104x128xf32, #tpu.memory_space<vmem>> -> memref<1x104x128xf32, #tpu.memory_space<vmem>>
    %dma_wait3A_455 = tpu.memref_squeeze %dma_wait3A_454 : memref<1x104x128xf32, #tpu.memory_space<vmem>> -> memref<104x128xf32, #tpu.memory_space<vmem>>
    %dma_wait3A_456 = arith.constant 0 : i32
    %dma_wait3A_457 = arith.constant 0 : i32
    %dma_wait3A_458 = tpu.memref_slice %arg2[%dma_wait3A_456, %dma_wait3A_457] : memref<100001x128xf32, #tpu.memory_space<hbm>> -> memref<104x128xf32, #tpu.memory_space<hbm>>
    %dma_wait3A_459 = tpu.memref_slice %arg8[%dma_wait3A_451] : memref<8x!tpu.dma_semaphore, #tpu.memory_space<semaphore_mem>> -> memref<1x!tpu.dma_semaphore, #tpu.memory_space<semaphore_mem>>
    %dma_wait3A_460 = tpu.memref_squeeze %dma_wait3A_459 : memref<1x!tpu.dma_semaphore, #tpu.memory_space<semaphore_mem>> -> memref<!tpu.dma_semaphore, #tpu.memory_space<semaphore_mem>>
    %dma_wait3A_461 = arith.constant 0 : i32
    %dma_wait3A_462 = arith.constant 0 : i32
    %dma_wait3A_463 = tpu.memref_slice %arg6[%dma_wait3A_450, %dma_wait3A_461, %dma_wait3A_462] : memref<8x104x128xf32, #tpu.memory_space<vmem>> -> memref<1x104x128xf32, #tpu.memory_space<vmem>>
    %dma_wait3A_464 = tpu.memref_squeeze %dma_wait3A_463 : memref<1x104x128xf32, #tpu.memory_space<vmem>> -> memref<104x128xf32, #tpu.memory_space<vmem>>
    %dma_wait3A_465 = arith.constant 0 : i32
    %dma_wait3A_466 = arith.constant 0 : i32
    %dma_wait3A_467 = tpu.memref_slice %arg2[%dma_wait3A_465, %dma_wait3A_466] : memref<100001x128xf32, #tpu.memory_space<hbm>> -> memref<104x128xf32, #tpu.memory_space<hbm>>
    tpu.wait_dma2 semaphore(%dma_wait3A_460 : memref<!tpu.dma_semaphore, #tpu.memory_space<semaphore_mem>>) src(%dma_wait3A_467 : memref<104x128xf32, #tpu.memory_space<hbm>>) dst(%dma_wait3A_464 : memref<104x128xf32, #tpu.memory_space<vmem>>)
    %dma_wait3A_468 = arith.constant 3 : i32
    %dma_wait3A_469 = arith.constant 3 : i32
    %dma_wait3A_470 = arith.constant 0 : i32
    %dma_wait3A_471 = arith.constant 0 : i32
    %dma_wait3A_472 = tpu.memref_slice %arg6[%dma_wait3A_468, %dma_wait3A_470, %dma_wait3A_471] : memref<8x104x128xf32, #tpu.memory_space<vmem>> -> memref<1x104x128xf32, #tpu.memory_space<vmem>>
    %dma_wait3A_473 = tpu.memref_squeeze %dma_wait3A_472 : memref<1x104x128xf32, #tpu.memory_space<vmem>> -> memref<104x128xf32, #tpu.memory_space<vmem>>
    %dma_wait3A_474 = arith.constant 0 : i32
    %dma_wait3A_475 = arith.constant 0 : i32
    %dma_wait3A_476 = tpu.memref_slice %arg2[%dma_wait3A_474, %dma_wait3A_475] : memref<100001x128xf32, #tpu.memory_space<hbm>> -> memref<104x128xf32, #tpu.memory_space<hbm>>
    %dma_wait3A_477 = tpu.memref_slice %arg8[%dma_wait3A_469] : memref<8x!tpu.dma_semaphore, #tpu.memory_space<semaphore_mem>> -> memref<1x!tpu.dma_semaphore, #tpu.memory_space<semaphore_mem>>
    %dma_wait3A_478 = tpu.memref_squeeze %dma_wait3A_477 : memref<1x!tpu.dma_semaphore, #tpu.memory_space<semaphore_mem>> -> memref<!tpu.dma_semaphore, #tpu.memory_space<semaphore_mem>>
    %dma_wait3A_479 = arith.constant 0 : i32
    %dma_wait3A_480 = arith.constant 0 : i32
    %dma_wait3A_481 = tpu.memref_slice %arg6[%dma_wait3A_468, %dma_wait3A_479, %dma_wait3A_480] : memref<8x104x128xf32, #tpu.memory_space<vmem>> -> memref<1x104x128xf32, #tpu.memory_space<vmem>>
    %dma_wait3A_482 = tpu.memref_squeeze %dma_wait3A_481 : memref<1x104x128xf32, #tpu.memory_space<vmem>> -> memref<104x128xf32, #tpu.memory_space<vmem>>
    %dma_wait3A_483 = arith.constant 0 : i32
    %dma_wait3A_484 = arith.constant 0 : i32
    %dma_wait3A_485 = tpu.memref_slice %arg2[%dma_wait3A_483, %dma_wait3A_484] : memref<100001x128xf32, #tpu.memory_space<hbm>> -> memref<104x128xf32, #tpu.memory_space<hbm>>
    tpu.wait_dma2 semaphore(%dma_wait3A_478 : memref<!tpu.dma_semaphore, #tpu.memory_space<semaphore_mem>>) src(%dma_wait3A_485 : memref<104x128xf32, #tpu.memory_space<hbm>>) dst(%dma_wait3A_482 : memref<104x128xf32, #tpu.memory_space<vmem>>)
    %dma_wait3A_486 = arith.constant 4 : i32
    %dma_wait3A_487 = arith.constant 4 : i32
    %dma_wait3A_488 = arith.constant 0 : i32
    %dma_wait3A_489 = arith.constant 0 : i32
    %dma_wait3A_490 = tpu.memref_slice %arg6[%dma_wait3A_486, %dma_wait3A_488, %dma_wait3A_489] : memref<8x104x128xf32, #tpu.memory_space<vmem>> -> memref<1x104x128xf32, #tpu.memory_space<vmem>>
    %dma_wait3A_491 = tpu.memref_squeeze %dma_wait3A_490 : memref<1x104x128xf32, #tpu.memory_space<vmem>> -> memref<104x128xf32, #tpu.memory_space<vmem>>
    %dma_wait3A_492 = arith.constant 0 : i32
    %dma_wait3A_493 = arith.constant 0 : i32
    %dma_wait3A_494 = tpu.memref_slice %arg2[%dma_wait3A_492, %dma_wait3A_493] : memref<100001x128xf32, #tpu.memory_space<hbm>> -> memref<104x128xf32, #tpu.memory_space<hbm>>
    %dma_wait3A_495 = tpu.memref_slice %arg8[%dma_wait3A_487] : memref<8x!tpu.dma_semaphore, #tpu.memory_space<semaphore_mem>> -> memref<1x!tpu.dma_semaphore, #tpu.memory_space<semaphore_mem>>
    %dma_wait3A_496 = tpu.memref_squeeze %dma_wait3A_495 : memref<1x!tpu.dma_semaphore, #tpu.memory_space<semaphore_mem>> -> memref<!tpu.dma_semaphore, #tpu.memory_space<semaphore_mem>>
    %dma_wait3A_497 = arith.constant 0 : i32
    %dma_wait3A_498 = arith.constant 0 : i32
    %dma_wait3A_499 = tpu.memref_slice %arg6[%dma_wait3A_486, %dma_wait3A_497, %dma_wait3A_498] : memref<8x104x128xf32, #tpu.memory_space<vmem>> -> memref<1x104x128xf32, #tpu.memory_space<vmem>>
    %dma_wait3A_500 = tpu.memref_squeeze %dma_wait3A_499 : memref<1x104x128xf32, #tpu.memory_space<vmem>> -> memref<104x128xf32, #tpu.memory_space<vmem>>
    %dma_wait3A_501 = arith.constant 0 : i32
    %dma_wait3A_502 = arith.constant 0 : i32
    %dma_wait3A_503 = tpu.memref_slice %arg2[%dma_wait3A_501, %dma_wait3A_502] : memref<100001x128xf32, #tpu.memory_space<hbm>> -> memref<104x128xf32, #tpu.memory_space<hbm>>
    tpu.wait_dma2 semaphore(%dma_wait3A_496 : memref<!tpu.dma_semaphore, #tpu.memory_space<semaphore_mem>>) src(%dma_wait3A_503 : memref<104x128xf32, #tpu.memory_space<hbm>>) dst(%dma_wait3A_500 : memref<104x128xf32, #tpu.memory_space<vmem>>)
    %dma_wait3A_504 = arith.constant 5 : i32
    %dma_wait3A_505 = arith.constant 5 : i32
    %dma_wait3A_506 = arith.constant 0 : i32
    %dma_wait3A_507 = arith.constant 0 : i32
    %dma_wait3A_508 = tpu.memref_slice %arg6[%dma_wait3A_504, %dma_wait3A_506, %dma_wait3A_507] : memref<8x104x128xf32, #tpu.memory_space<vmem>> -> memref<1x104x128xf32, #tpu.memory_space<vmem>>
    %dma_wait3A_509 = tpu.memref_squeeze %dma_wait3A_508 : memref<1x104x128xf32, #tpu.memory_space<vmem>> -> memref<104x128xf32, #tpu.memory_space<vmem>>
    %dma_wait3A_510 = arith.constant 0 : i32
    %dma_wait3A_511 = arith.constant 0 : i32
    %dma_wait3A_512 = tpu.memref_slice %arg2[%dma_wait3A_510, %dma_wait3A_511] : memref<100001x128xf32, #tpu.memory_space<hbm>> -> memref<104x128xf32, #tpu.memory_space<hbm>>
    %dma_wait3A_513 = tpu.memref_slice %arg8[%dma_wait3A_505] : memref<8x!tpu.dma_semaphore, #tpu.memory_space<semaphore_mem>> -> memref<1x!tpu.dma_semaphore, #tpu.memory_space<semaphore_mem>>
    %dma_wait3A_514 = tpu.memref_squeeze %dma_wait3A_513 : memref<1x!tpu.dma_semaphore, #tpu.memory_space<semaphore_mem>> -> memref<!tpu.dma_semaphore, #tpu.memory_space<semaphore_mem>>
    %dma_wait3A_515 = arith.constant 0 : i32
    %dma_wait3A_516 = arith.constant 0 : i32
    %dma_wait3A_517 = tpu.memref_slice %arg6[%dma_wait3A_504, %dma_wait3A_515, %dma_wait3A_516] : memref<8x104x128xf32, #tpu.memory_space<vmem>> -> memref<1x104x128xf32, #tpu.memory_space<vmem>>
    %dma_wait3A_518 = tpu.memref_squeeze %dma_wait3A_517 : memref<1x104x128xf32, #tpu.memory_space<vmem>> -> memref<104x128xf32, #tpu.memory_space<vmem>>
    %dma_wait3A_519 = arith.constant 0 : i32
    %dma_wait3A_520 = arith.constant 0 : i32
    %dma_wait3A_521 = tpu.memref_slice %arg2[%dma_wait3A_519, %dma_wait3A_520] : memref<100001x128xf32, #tpu.memory_space<hbm>> -> memref<104x128xf32, #tpu.memory_space<hbm>>
    tpu.wait_dma2 semaphore(%dma_wait3A_514 : memref<!tpu.dma_semaphore, #tpu.memory_space<semaphore_mem>>) src(%dma_wait3A_521 : memref<104x128xf32, #tpu.memory_space<hbm>>) dst(%dma_wait3A_518 : memref<104x128xf32, #tpu.memory_space<vmem>>)
    %dma_wait3A_522 = arith.constant 6 : i32
    %dma_wait3A_523 = arith.constant 6 : i32
    %dma_wait3A_524 = arith.constant 0 : i32
    %dma_wait3A_525 = arith.constant 0 : i32
    %dma_wait3A_526 = tpu.memref_slice %arg6[%dma_wait3A_522, %dma_wait3A_524, %dma_wait3A_525] : memref<8x104x128xf32, #tpu.memory_space<vmem>> -> memref<1x104x128xf32, #tpu.memory_space<vmem>>
    %dma_wait3A_527 = tpu.memref_squeeze %dma_wait3A_526 : memref<1x104x128xf32, #tpu.memory_space<vmem>> -> memref<104x128xf32, #tpu.memory_space<vmem>>
    %dma_wait3A_528 = arith.constant 0 : i32
    %dma_wait3A_529 = arith.constant 0 : i32
    %dma_wait3A_530 = tpu.memref_slice %arg2[%dma_wait3A_528, %dma_wait3A_529] : memref<100001x128xf32, #tpu.memory_space<hbm>> -> memref<104x128xf32, #tpu.memory_space<hbm>>
    %dma_wait3A_531 = tpu.memref_slice %arg8[%dma_wait3A_523] : memref<8x!tpu.dma_semaphore, #tpu.memory_space<semaphore_mem>> -> memref<1x!tpu.dma_semaphore, #tpu.memory_space<semaphore_mem>>
    %dma_wait3A_532 = tpu.memref_squeeze %dma_wait3A_531 : memref<1x!tpu.dma_semaphore, #tpu.memory_space<semaphore_mem>> -> memref<!tpu.dma_semaphore, #tpu.memory_space<semaphore_mem>>
    %dma_wait3A_533 = arith.constant 0 : i32
    %dma_wait3A_534 = arith.constant 0 : i32
    %dma_wait3A_535 = tpu.memref_slice %arg6[%dma_wait3A_522, %dma_wait3A_533, %dma_wait3A_534] : memref<8x104x128xf32, #tpu.memory_space<vmem>> -> memref<1x104x128xf32, #tpu.memory_space<vmem>>
    %dma_wait3A_536 = tpu.memref_squeeze %dma_wait3A_535 : memref<1x104x128xf32, #tpu.memory_space<vmem>> -> memref<104x128xf32, #tpu.memory_space<vmem>>
    %dma_wait3A_537 = arith.constant 0 : i32
    %dma_wait3A_538 = arith.constant 0 : i32
    %dma_wait3A_539 = tpu.memref_slice %arg2[%dma_wait3A_537, %dma_wait3A_538] : memref<100001x128xf32, #tpu.memory_space<hbm>> -> memref<104x128xf32, #tpu.memory_space<hbm>>
    tpu.wait_dma2 semaphore(%dma_wait3A_532 : memref<!tpu.dma_semaphore, #tpu.memory_space<semaphore_mem>>) src(%dma_wait3A_539 : memref<104x128xf32, #tpu.memory_space<hbm>>) dst(%dma_wait3A_536 : memref<104x128xf32, #tpu.memory_space<vmem>>)
    %dma_wait3A_540 = arith.constant 7 : i32
    %dma_wait3A_541 = arith.constant 7 : i32
    %dma_wait3A_542 = arith.constant 0 : i32
    %dma_wait3A_543 = arith.constant 0 : i32
    %dma_wait3A_544 = tpu.memref_slice %arg6[%dma_wait3A_540, %dma_wait3A_542, %dma_wait3A_543] : memref<8x104x128xf32, #tpu.memory_space<vmem>> -> memref<1x104x128xf32, #tpu.memory_space<vmem>>
    %dma_wait3A_545 = tpu.memref_squeeze %dma_wait3A_544 : memref<1x104x128xf32, #tpu.memory_space<vmem>> -> memref<104x128xf32, #tpu.memory_space<vmem>>
    %dma_wait3A_546 = arith.constant 0 : i32
    %dma_wait3A_547 = arith.constant 0 : i32
    %dma_wait3A_548 = tpu.memref_slice %arg2[%dma_wait3A_546, %dma_wait3A_547] : memref<100001x128xf32, #tpu.memory_space<hbm>> -> memref<104x128xf32, #tpu.memory_space<hbm>>
    %dma_wait3A_549 = tpu.memref_slice %arg8[%dma_wait3A_541] : memref<8x!tpu.dma_semaphore, #tpu.memory_space<semaphore_mem>> -> memref<1x!tpu.dma_semaphore, #tpu.memory_space<semaphore_mem>>
    %dma_wait3A_550 = tpu.memref_squeeze %dma_wait3A_549 : memref<1x!tpu.dma_semaphore, #tpu.memory_space<semaphore_mem>> -> memref<!tpu.dma_semaphore, #tpu.memory_space<semaphore_mem>>
    %dma_wait3A_551 = arith.constant 0 : i32
    %dma_wait3A_552 = arith.constant 0 : i32
    %dma_wait3A_553 = tpu.memref_slice %arg6[%dma_wait3A_540, %dma_wait3A_551, %dma_wait3A_552] : memref<8x104x128xf32, #tpu.memory_space<vmem>> -> memref<1x104x128xf32, #tpu.memory_space<vmem>>
    %dma_wait3A_554 = tpu.memref_squeeze %dma_wait3A_553 : memref<1x104x128xf32, #tpu.memory_space<vmem>> -> memref<104x128xf32, #tpu.memory_space<vmem>>
    %dma_wait3A_555 = arith.constant 0 : i32
    %dma_wait3A_556 = arith.constant 0 : i32
    %dma_wait3A_557 = tpu.memref_slice %arg2[%dma_wait3A_555, %dma_wait3A_556] : memref<100001x128xf32, #tpu.memory_space<hbm>> -> memref<104x128xf32, #tpu.memory_space<hbm>>
    tpu.wait_dma2 semaphore(%dma_wait3A_550 : memref<!tpu.dma_semaphore, #tpu.memory_space<semaphore_mem>>) src(%dma_wait3A_557 : memref<104x128xf32, #tpu.memory_space<hbm>>) dst(%dma_wait3A_554 : memref<104x128xf32, #tpu.memory_space<vmem>>)
    return
  }
}

</mosaic_0001>

<sc_bundles>
// kernel: kernel.3.cloned.1.call-start
scs
__scs_entry_jumppad:
0x0: {  	(pc) =	sbr.rel $0x88, $3  }
0x1: {  	(tag) =	ssettag $0x0;
	lr =	simm.s32 $0x1  }
0x2: {  	[smem:$0x3F9F] =	sst lr;
	_ =	strace $0xD0000000  }
0x3: {  	_ = 	snop  }
0x4: {  	_ = 	snop  }
0x5: {  	_ = 	snop  }
0x6: {  	_ = 	snop  }
0x7: {  	_ = 	snop  }
__scs_overlays_trampoline_lowered:
0x8: {  	[smem:$0x3FAE] =	sst s0  }
0x9: {  	[smem:$0x3FAF] =	sst s1  }
0xa: {  	[smem:$0x3FB0] =	sst s2  }
0xb: {  	[smem:$0x3FB1] =	sst s3  }
0xc: {  	[smem:$0x3FB2] =	sst s4  }
0xd: {  	[smem:$0x3FB3] =	sst s5  }
0xe: {  	[smem:$0x3FB4] =	sst s6  }
0xf: {  	[smem:$0x3FB5] =	sst s7  }
0x10: {  	[smem:$0x3FB6] =	sst s8  }
0x11: {  	[smem:$0x3FB7] =	sst s9;
	s0 =	simm.s32 @!p0 $0x0  }
0x12: {  	s1 =	sld [smem:$0x3F9D];
	s0 =	simm.s32 @p0 $0x1  }
0x13: {  	[smem:$0x3FB8] =	sst s0;
	s0 =	simm.s32 @!p1 $0x0  }
0x14: {  	s2 =	sld [smem:$0x3F9C];
	s0 =	simm.s32 @p1 $0x1  }
0x15: {  	[smem:$0x3FB9] =	sst s0;
	s0 =	simm.s32 @!p2 $0x0  }
0x16: {  	s3 =	sld [smem:$0x3FDB];
	s0 =	simm.s32 @p2 $0x1  }
0x17: {  	s4 =	simm.s32 $0x1BF5;
	[smem:$0x3FBB] =	sst s0  }
0x18: {  	s0 =	sld [smem:$0x3F9E];
	_ =	swait.ge [sflag:s4], $0x0  }
0x19: {  	s7 =	sld [smem:$0x3F9F]  }
0x1a: {  	s8 =	sadd.s32 $0xFFFFE003, lr  }
0x1b: {  	s9 =	sadd.s32 $0xFFFFFEF7, lr;
	s5 =	simm.s32 $0xFFFFFFFF;
	p2 =	slt.u32 s8, $0xFFFFF086  }
0x1c: {  	p1 =	slt.u32 s9, $0xF7A;
	s5 =	simm.s32 @!p2 $0x0  }
0x1d: {  	s5 =	simm.s32 @p1 $0x1;
	p0 =	seq.s32 s7, s2  }
0x1e: {  	s7 =	smul.u32 @!p0 $0xF7A, s2;
	p2 =	seq.s32 @!p0 s5, $0x0  }
0x1f: {  	s9 =	smul.u32 $0xF7A, s1;
	s8 =	simm.s32 @!p0 $0x1BF5;
	p2 =	por !p2, p0  }
0x20: {  	[sflag:s8] =	ssyncset.s32 @!p0 $0xFFFFF086;
	s6 =	sadd.s32 @!p0 s3, s7;
	s7 =	simm.s32 @!p0 $0x108  }
0x21: {  	s3 =	sadd.s32 s3, s9;
	s6 =	sadd.s32 @!p0 $0x88, s6;
	s7 =	simm.s32 @p2 $0x1082  }
0x22: {  	[simem:s7], [sflag:s8] =	dma.local @!p0 [hbm:s6], $0xF7A  }
0x23: {  	s9 =	sor.u32 $0xD0000000, s2;
	s6 =	simm.s32 $0x108;
	_ =	swait.ge @!p0 [sflag:s8], $0x0  }
0x24: {  	s3 =	sadd.s32 $0x88, s3;
	s6 =	simm.s32 @!p1 $0x1082;
	[sflag:s4] =	ssyncset.s32 $0xFFFFF086  }
0x25: {  	[simem:s6], [sflag:s4] =	dma.local [hbm:s3], $0xF7A  }
0x26: {  	[smem:$0x3F9F] =	sst s1;
	(tag) =	ssettag s2;
	_ =	strace s9  }
0x27: {  	s1 =	sld [smem:$0x3FAF]  }
0x28: {  	s2 =	sld [smem:$0x3FB0]  }
0x29: {  	s4 =	sld [smem:$0x3FB2]  }
0x2a: {  	p0 =	seq.s32 s5, $0x0;
	s5 =	sld [smem:$0x3FB3]  }
0x2b: {  	s6 =	sld [smem:$0x3FB4]  }
0x2c: {  	s7 =	sld [smem:$0x3FB5]  }
0x2d: {  	s3 =	simm.s32 $0x108;
	s8 =	sld [smem:$0x3FB6]  }
0x2e: {  	s3 =	simm.s32 @!p0 $0x1082;
	s9 =	sld [smem:$0x3FB7]  }
0x2f: {  	lr =	sadd.s32 s0, s3;
	s0 =	sld [smem:$0x3FAE]  }
0x30: {  	s3 =	sld [smem:$0x3FB1]  }
0x31: {  	[smem:$0x3FBA] =	sst s10  }
0x32: {  	s10 =	sld [smem:$0x3FB8];
	_ =	sdelay $0x3  }
0x33: {  	p0 =	seq.s32 s10, $0x1;
	s10 =	sld [smem:$0x3FBA];
	_ =	sdelay $0x3  }
0x34: {  	[smem:$0x3FBA] =	sst s10  }
0x35: {  	s10 =	sld [smem:$0x3FB9];
	_ =	sdelay $0x3  }
0x36: {  	p1 =	seq.s32 s10, $0x1;
	s10 =	sld [smem:$0x3FBA];
	_ =	sdelay $0x3  }
0x37: {  	[smem:$0x3FBA] =	sst s10  }
0x38: {  	s10 =	sld [smem:$0x3FBB]  }
0x39: {  	_ = 	snop;
	(pc) =	sbr.ind lr, $3  }
0x3a: {  	_ = 	snop  }
0x3b: {  	_ = 	snop  }
0x3c: {  	p2 =	seq.s32 s10, $0x1;
	s10 =	sld [smem:$0x3FBA]  }
0x3d: {  	_ =	shalt  }
0x3e: {  	_ =	shalt  }
0x3f: {  	_ =	shalt  }
0x40: {  	_ =	shalt  }
0x41: {  	_ =	shalt  }
0x42: {  	_ =	shalt  }
0x43: {  	_ =	shalt  }
0x44: {  	_ =	shalt  }
0x45: {  	_ =	shalt  }
0x46: {  	_ =	shalt  }
0x47: {  	_ =	shalt  }
0x48: {  	_ =	shalt  }
0x49: {  	_ =	shalt  }
0x4a: {  	_ =	shalt  }
0x4b: {  	_ =	shalt  }
0x4c: {  	_ =	shalt  }
0x4d: {  	_ =	shalt  }
0x4e: {  	_ =	shalt  }
0x4f: {  	_ =	shalt  }
0x50: {  	_ =	shalt  }
0x51: {  	_ =	shalt  }
0x52: {  	_ =	shalt  }
0x53: {  	_ =	shalt  }
0x54: {  	_ =	shalt  }
0x55: {  	_ =	shalt  }
0x56: {  	_ =	shalt  }
0x57: {  	_ =	shalt  }
0x58: {  	_ =	shalt  }
0x59: {  	_ =	shalt  }
0x5a: {  	_ =	shalt  }
0x5b: {  	_ =	shalt  }
0x5c: {  	_ =	shalt  }
0x5d: {  	_ =	shalt  }
0x5e: {  	_ =	shalt  }
0x5f: {  	_ =	shalt  }
0x60: {  	_ =	shalt  }
0x61: {  	_ =	shalt  }
0x62: {  	_ =	shalt  }
0x63: {  	_ =	shalt  }
0x64: {  	_ =	shalt  }
0x65: {  	_ =	shalt  }
0x66: {  	_ =	shalt  }
0x67: {  	_ =	shalt  }
0x68: {  	_ =	shalt  }
0x69: {  	_ =	shalt  }
0x6a: {  	_ =	shalt  }
0x6b: {  	_ =	shalt  }
0x6c: {  	_ =	shalt  }
0x6d: {  	_ =	shalt  }
0x6e: {  	_ =	shalt  }
0x6f: {  	_ =	shalt  }
0x70: {  	_ =	shalt  }
0x71: {  	_ =	shalt  }
0x72: {  	_ =	shalt  }
0x73: {  	_ =	shalt  }
0x74: {  	_ =	shalt  }
0x75: {  	_ =	shalt  }
0x76: {  	_ =	shalt  }
0x77: {  	_ =	shalt  }
0x78: {  	_ =	shalt  }
0x79: {  	_ =	shalt  }
0x7a: {  	_ =	shalt  }
0x7b: {  	_ =	shalt  }
0x7c: {  	_ =	shalt  }
0x7d: {  	_ =	shalt  }
0x7e: {  	_ =	shalt  }
0x7f: {  	_ =	shalt  }
0x80: {  	_ =	shalt  }
0x81: {  	_ =	shalt  }
0x82: {  	_ =	shalt  }
0x83: {  	_ =	shalt  }
0x84: {  	_ =	shalt  }
0x85: {  	_ =	shalt  }
0x86: {  	_ =	shalt  }
0x87: {  	_ =	shalt  }
.Lfunc_end0:
.L_simem_size_0:
called_computation_lowered:
.L_overlay_start_0:
0x88: {  	s2 =	sld [smem:$0x3FD9]  }
0x89: {  	s3 =	sld [smem:$0x3FFE];
	_ =	sdelay $0x1  }
0x8a: {  	s1 =	srdreg.scid  }
0x8b: {  	s0 =	sand.u32 $0x1, s1  }
0x8c: {  	s17 =	sshll.u32 s0, $0xA;
	s2 =	sadd.s32 s3, s2  }
0x8d: {  	s2 =	sadd.s32 s2, s17  }
0x8e: {  	[smem:$0x3FC6] =	sst s2  }
0x8f: {  	_ = 	snop  }
0x90: {  	s2 =	sld [smem:$0x3FC8]  }
0x91: {  	s18 =	sld [smem:$0x3FD0];
	(tm) =	ssettm $0x1  }
0x92: {  	s4 =	sld [smem:$0x3FFB];
	_ =	sdelay $0x3  }
0x93: {  	_ =	strace s4  }
0x94: {  	s4 =	sld [smem:$0x3FFC];
	_ =	sdelay $0x3  }
0x95: {  	_ =	strace s4  }
0x96: {  	s4 =	sld [smem:$0x3FFD];
	_ =	sdelay $0x3  }
0x97: {  	_ =	strace s4  }
0x98: {  	_ =	strace $0x8FFFFFFF  }
0x99: {  	s19 =	sld [smem:$0x3FDB];
	_ =	sdelay $0x1  }
0x9a: {  	s5 =	simm.s32 $_scs_section_size  }
0x9b: {  	s6 =	simm.s32 $_size__tile_overlayer_lowered;
	s7 =	simm.s32 $_tile_overlayer_lowered  }
0x9c: {  	s22 =	simm.s32 $0x1BFF;
	s21 =	sshll.u32 s7, $0x1;
	s4 =	sadd.s32 s5, s19  }
0x9d: {  	s8 =	simm.s32 $0x0;
	s20 =	sshll.u32 s6, $0x1;
	s6 =	sadd.s32 s21, s4  }
0x9e: {  	[timem:s8], [sflag:s22] =	dma.local [hbm:s6], s20  }
0x9f: {  	_ =	swait.ge [sflag:s22], s20  }
0xa0: {  	s5 =	ssub.s32 $0x0, s20;
	[sflag:s22] =	ssyncset.done $0x0  }
0xa1: {  	[sflag:s22] =	ssyncadd.s32 s5;
	_ =	sdelay $0x1  }
0xa2: {  	s23 =	simm.s32 $0x1B8B  }
0xa3: {  	_ =	swait.ge [sflag:s23], $0x1  }
0xa4: {  	[sflag:s23] =	ssyncset.done $0x0  }
0xa5: {  	s25 =	simm.s32 $0x1B8E;
	s24 =	sld [smem:$0x3FFE];
	[sflag:s23] =	ssyncadd.s32 $0xFFFFFFFF  }
0xa6: {  	s26 =	simm.s32 $execute0_lowered;
	[smem:$0x3FD2] =	sst s25  }
0xa7: {  	s6 =	sshll.u32 s26, $0x1;
	_ =	strace $0x80000046;
	[dreg:$0x1] =	wrdreg $0xFFFFFFFF  }
0xa8: {  	s28 =	simm.s32 $_size_execute0_lowered;
	s4 =	sadd.s32 s4, s6;
	[dreg:$0x0] =	wrdreg $0x0  }
0xa9: {  	s6 =	sshll.u32 s28, $0x1;
	[dreg:$0x2] =	wrdreg s4  }
0xaa: {  	[dreg:$0x3] =	wrdreg s6  }
0xab: {  	[dreg:$0x4] =	wrdreg $0xC0  }
0xac: {  	_ =	task [dreg:s8], $0x5FFFF  }
0xad: {  	[dreg:$0x1] =	wrdreg $0xFFFFFFFF  }
0xae: {  	[dreg:$0x0] =	wrdreg $0x60  }
0xaf: {  	[dreg:$0x2] =	wrdreg s2  }
0xb0: {  	[dreg:$0x3] =	wrdreg s24  }
0xb1: {  	[dreg:$0x4] =	wrdreg s18  }
0xb2: {  	[dreg:$0x5] =	wrdreg $0x9  }
0xb3: {  	_ =	task.clear_ibuf [dreg:s8], $0x6FFFF;
	_ =	strace $0x90000046  }
0xb4: {  	s29 =	simm.s32 $0x9;
	_ =	strace $0x80000048  }
0xb5: {  	_ =	swait.ge [sflag:s29], $0x1  }
0xb6: {  	[sflag:s29] =	ssyncadd.s32 $0xFFFFFFFF  }
0xb7: {  	_ =	strace $0x90000048  }
0xb8: {  	_ =	sfence  }
0xb9: {  	s30 =	sld [smem:$0x0];
	_ =	sdelay $0x2  }
0xba: {  	s31 =	sshll.u32 s1, $0xD;
	s1 =	sshrl.u32 s1, $0x2  }
0xbb: {  	s3 =	sand.u32 $0x4000, s31;
	s1 =	sadd.s32 s1, s30  }
0xbc: {  	s0 =	sor.u32 s3, s0;
	s1 =	sshll.u32 s1, $0x11  }
0xbd: {  	s0 =	sor.u32 s1, s0  }
0xbe: {  	s0 =	sadd.s32 $0x8F2B, s0  }
0xbf: {  	[sflag:s0] =	ssyncadd.remote.s32 $0x1  }
0xc0: {  	_ =	sfence.sel $0xFFFF  }
0xc1: {  	[dreg:$0x0] =	wrdreg $0xFFFFFFFF;
	(pc) =	sbr.abs _section_cstart, $3  }
0xc2: {  	[dreg:$0x1] =	wrdreg $0xFFFFFFFF  }
0xc3: {  	_ =	task.clear_ibuf [dreg:s8], $0x2FFFF;
	_ =	strace $0x9FFFFFFF  }
0xc4: {  	(tm) =	ssettm $0x7FFFFFFF  }
0xc5: {  	_ =	shalt  }
tec
execute0_lowered:
.L_overlay_start_1:
0x0: {  	(tag) =	ssettag $0x1  }
0x1: {  	s1 =	rddreg [dreg:$0x0]  }
0x2: {  	s0 =	rddreg [dreg:$0x1];
	s2 =	srdreg.scid  }
0x3: {  	s10 =	stileid.u32;
	s4 =	rddreg [dreg:$0x2];
	s3 =	simm.s32 $0x0  }
0x4: {  	s16 =	simm.s32 $0x68;
	s17 =	simm.s32 $0x1000;
	s28 =	simm.s32 $0x2  }
0x5: {  	s30 =	simm.s32 $0x11400;
	s31 =	simm.s32 $0x3;
	s29 =	simm.s32 $0x9  }
0x6: {  	s11 =	simm.s32 $0xF;
	s12 =	simm.s32 $0x10;
	s13 =	simm.s32 $0x0  }
0x7: {  	s2 =	sand.u32 $0x1, s2;
	s5 =	sshll.u32 s10, $0x1;
	[smem:$0x7FF] =	sst s3  }
0x8: {  	s20 =	smul.u32 $0x1A000, s10;
	s10 =	simm.s32 $0xE;
	s5 =	sor.u32 s2, s5  }
0x9: {  	s6 =	ssub.s32 $0x2, s2;
	_ =	strace $0x80000047;
	s2 =	smul.u32 $0xD000, s2  }
0xa: {  	s7 =	smul.u32 $0xD000, s5;
	s8 =	sshll.u32 s5, $0x9;
	s9 =	sshrl.u32 s6, $0x1  }
0xb: {  	s5 =	smul.u32 $0x68000, s5;
	s0 =	sadd.s32 s8, s0;
	s6 =	ssub.s32 s6, s9  }
0xc: {  	s8 =	simm.s32 $0xC;
	s9 =	simm.s32 $0xD;
	s0 =	sadd.s32 $0x400, s0  }
0xd: {  	s7 =	sadd.s32 s4, s7;
	s18 =	sshrl.u32 s5, $0x3;
	s26 =	smax.u32 s6, $0x1  }
0xe: {  	s6 =	simm.s32 $0xB;
	[dreg:$0x4] =	wrdreg s0;
	s19 =	sadd.s32 $0x680, s7  }
0xf: {  	s0 =	sadd.s32 s4, s18;
	[dreg:$0x5] =	wrdreg s7;
	s7 =	sadd.s32 $0xD00, s7  }
0x10: {  	s4 =	sadd.s32 s20, s4;
	[dreg:$0xd] =	wrdreg s26;
	s26 =	simm.s32 $0xE000  }
0x11: {  	s18 =	simm.s32 $0x4;
	s20 =	simm.s32 $0xA;
	[dreg:$0x6] =	wrdreg s19  }
0x12: {  	[dreg:$0x7] =	wrdreg s7;
	s21 =	sadd.s32 $0x1380, s0;
	s22 =	sadd.s32 $0xB600, s0  }
0x13: {  	s23 =	sadd.s32 $0xBC80, s0;
	s24 =	sadd.s32 $0xC300, s0;
	[dreg:$0x8] =	wrdreg s21  }
0x14: {  	s0 =	sadd.s32 $0xC980, s0;
	s25 =	sadd.s32 s2, s4;
	[dreg:$0x9] =	wrdreg s22  }
0x15: {  	s19 =	simm.s32 $0x4400;
	s2 =	simm.s32 $0x6;
	[dreg:$0xa] =	wrdreg s23  }
0x16: {  	s4 =	simm.s32 $0x7;
	s7 =	simm.s32 $0x8;
	[dreg:$0xb] =	wrdreg s24  }
0x17: {  	[dreg:$0xc] =	wrdreg s0;
	s0 =	sadd.s32 $0x2700, s25;
	s21 =	simm.s32 $0x7800  }
0x18: {  	s23 =	simm.s32 $0xAC00;
	s24 =	simm.s32 $0x1;
	s22 =	simm.s32 $0x17C00  }
0x19: {  	s25 =	simm.s32 $0x5;
	[dreg:$0xe] =	wrdreg s0;
	s0 =	simm.s32 $0x14800  }
.LBB2_1:
0x1a: {  	[dreg:$0xf] =	wrdreg s13  }
0x1b: {  	s5 =	rddreg [dreg:$0x4];
	s13 =	simm.s32 $0x11  }
0x1c: {  	[tilespmem:s3], [sflag:$0x11] =	stream.linear.gather [hbm4b:s5+s3], $0x1000, $0x38;
	[tilespmem:$0x1B000] =	vst v63  }
0x1d: {  	_ =	swait.ge [sflag:s13], $0x1000  }
0x1e: {  	[sflag:s13] =	ssyncset.done $0x0  }
0x1f: {  	[sflag:s13] =	ssyncadd.s32 $0xFFFFF000  }
0x20: {  	[tilespmem:s17], [sflag:$0x1] =	stream.indirect.gather [hbm4b:s1+s16], $0x80, s3, s16, $0xb8;
	[tilespmem:$0x1B000] =	vst v63  }
0x21: {  	s14 =	simm.s32 $0x80  }
0x22: {  	[tilespmem:s19], [sflag:$0x2] =	stream.indirect.gather [hbm4b:s1+s16], $0x80, s14, s16, $0xb8;
	[tilespmem:$0x1B000] =	vst v63  }
0x23: {  	s15 =	simm.s32 $0x100  }
0x24: {  	[tilespmem:s21], [sflag:$0x3] =	stream.indirect.gather [hbm4b:s1+s16], $0x80, s15, s16, $0xb8;
	[tilespmem:$0x1B000] =	vst v63  }
0x25: {  	s13 =	simm.s32 $0x180  }
0x26: {  	[tilespmem:s23], [sflag:$0x4] =	stream.indirect.gather [hbm4b:s1+s16], $0x80, s13, s16, $0xb8;
	[tilespmem:$0x1B000] =	vst v63  }
0x27: {  	_ =	swait.ge [sflag:s24], $0x3400  }
0x28: {  	[sflag:s24] =	ssyncset.done $0x0  }
0x29: {  	s14 =	rddreg [dreg:$0x5];
	[sflag:s24] =	ssyncadd.s32 $0xFFFFCC00  }
0x2a: {  	[hbm4b:s14+s3] =	stream.linear.scatter [tilespmem:s17], [sflag:$0x9], $0x3400, $0x38;
	[tilespmem:$0x1B000] =	vst v63  }
0x2b: {  	s15 =	simm.s32 $0x200  }
0x2c: {  	[tilespmem:s26], [sflag:$0x5] =	stream.indirect.gather [hbm4b:s1+s16], $0x80, s15, s16, $0xb8;
	[tilespmem:$0x1B000] =	vst v63  }
0x2d: {  	_ =	swait.ge [sflag:s28], $0x3400  }
0x2e: {  	[sflag:s28] =	ssyncset.done $0x0  }
0x2f: {  	s13 =	rddreg [dreg:$0x6];
	[sflag:s28] =	ssyncadd.s32 $0xFFFFCC00  }
0x30: {  	[hbm4b:s13+s3] =	stream.linear.scatter [tilespmem:s19], [sflag:$0xA], $0x3400, $0x38;
	[tilespmem:$0x1B000] =	vst v63  }
0x31: {  	s14 =	simm.s32 $0x280  }
0x32: {  	[tilespmem:s30], [sflag:$0x6] =	stream.indirect.gather [hbm4b:s1+s16], $0x80, s14, s16, $0xb8;
	[tilespmem:$0x1B000] =	vst v63  }
0x33: {  	_ =	swait.ge [sflag:s31], $0x3400  }
0x34: {  	[sflag:s31] =	ssyncset.done $0x0  }
0x35: {  	s15 =	rddreg [dreg:$0x7];
	[sflag:s31] =	ssyncadd.s32 $0xFFFFCC00  }
0x36: {  	[hbm4b:s15+s3] =	stream.linear.scatter [tilespmem:s21], [sflag:$0xB], $0x3400, $0x38;
	[tilespmem:$0x1B000] =	vst v63  }
0x37: {  	s13 =	simm.s32 $0x300  }
0x38: {  	[tilespmem:s0], [sflag:$0x7] =	stream.indirect.gather [hbm4b:s1+s16], $0x80, s13, s16, $0xb8;
	[tilespmem:$0x1B000] =	vst v63  }
0x39: {  	_ =	swait.ge [sflag:s18], $0x3400  }
0x3a: {  	[sflag:s18] =	ssyncset.done $0x0  }
0x3b: {  	s14 =	rddreg [dreg:$0x8];
	[sflag:s18] =	ssyncadd.s32 $0xFFFFCC00  }
0x3c: {  	[hbm4b:s14+s3] =	stream.linear.scatter [tilespmem:s23], [sflag:$0xC], $0x3400, $0x38;
	[tilespmem:$0x1B000] =	vst v63  }
0x3d: {  	s15 =	simm.s32 $0x380  }
0x3e: {  	[tilespmem:s22], [sflag:$0x8] =	stream.indirect.gather [hbm4b:s1+s16], $0x80, s15, s16, $0xb8;
	[tilespmem:$0x1B000] =	vst v63  }
0x3f: {  	_ =	swait.ge [sflag:s25], $0x3400  }
0x40: {  	[sflag:s25] =	ssyncset.done $0x0;
	s14 =	rddreg [dreg:$0xe]  }
0x41: {  	[sflag:s25] =	ssyncadd.s32 $0xFFFFCC00;
	s13 =	sadd.s32 $0xFFFFF300, s14  }
0x42: {  	[hbm4b:s13+s3] =	stream.linear.scatter [tilespmem:s26], [sflag:$0xD], $0x3400, $0x38;
	[tilespmem:$0x1B000] =	vst v63  }
0x43: {  	_ =	swait.ge [sflag:s29], $0x3400  }
0x44: {  	[sflag:s29] =	ssyncset.done $0x0  }
0x45: {  	s15 =	simm.s32 $0x400;
	[sflag:s29] =	ssyncadd.s32 $0xFFFFCC00  }
0x46: {  	[tilespmem:s17], [sflag:$0x1] =	stream.indirect.gather [hbm4b:s1+s16], $0x80, s15, s16, $0xb8;
	[tilespmem:$0x1B000] =	vst v63  }
0x47: {  	_ =	swait.ge [sflag:s2], $0x3400  }
0x48: {  	[sflag:s2] =	ssyncset.done $0x0  }
0x49: {  	s13 =	sadd.s32 $0xFFFFF980, s14;
	[sflag:s2] =	ssyncadd.s32 $0xFFFFCC00  }
0x4a: {  	[hbm4b:s13+s3] =	stream.linear.scatter [tilespmem:s30], [sflag:$0xE], $0x3400, $0x38;
	[tilespmem:$0x1B000] =	vst v63  }
0x4b: {  	_ =	swait.ge [sflag:s20], $0x3400  }
0x4c: {  	[sflag:s20] =	ssyncset.done $0x0  }
0x4d: {  	s15 =	simm.s32 $0x480;
	[sflag:s20] =	ssyncadd.s32 $0xFFFFCC00  }
0x4e: {  	[tilespmem:s19], [sflag:$0x2] =	stream.indirect.gather [hbm4b:s1+s16], $0x80, s15, s16, $0xb8;
	[tilespmem:$0x1B000] =	vst v63  }
0x4f: {  	_ =	swait.ge [sflag:s4], $0x3400  }
0x50: {  	[sflag:s4] =	ssyncset.done $0x0  }
0x51: {  	[sflag:s4] =	ssyncadd.s32 $0xFFFFCC00  }
0x52: {  	[hbm4b:s14+s3] =	stream.linear.scatter [tilespmem:s0], [sflag:$0xF], $0x3400, $0x38;
	[tilespmem:$0x1B000] =	vst v63  }
0x53: {  	_ =	swait.ge [sflag:s6], $0x3400  }
0x54: {  	[sflag:s6] =	ssyncset.done $0x0  }
0x55: {  	s13 =	simm.s32 $0x500;
	[sflag:s6] =	ssyncadd.s32 $0xFFFFCC00  }
0x56: {  	[tilespmem:s21], [sflag:$0x3] =	stream.indirect.gather [hbm4b:s1+s16], $0x80, s13, s16, $0xb8;
	[tilespmem:$0x1B000] =	vst v63  }
0x57: {  	_ =	swait.ge [sflag:s7], $0x3400  }
0x58: {  	[sflag:s7] =	ssyncset.done $0x0  }
0x59: {  	s15 =	sadd.s32 $0x680, s14;
	[sflag:s7] =	ssyncadd.s32 $0xFFFFCC00  }
0x5a: {  	[hbm4b:s15+s3] =	stream.linear.scatter [tilespmem:s22], [sflag:$0x10], $0x3400, $0x38;
	[tilespmem:$0x1B000] =	vst v63  }
0x5b: {  	_ =	swait.ge [sflag:s8], $0x3400  }
0x5c: {  	[sflag:s8] =	ssyncset.done $0x0  }
0x5d: {  	s13 =	simm.s32 $0x580;
	[sflag:s8] =	ssyncadd.s32 $0xFFFFCC00  }
0x5e: {  	[tilespmem:s23], [sflag:$0x4] =	stream.indirect.gather [hbm4b:s1+s16], $0x80, s13, s16, $0xb8;
	[tilespmem:$0x1B000] =	vst v63  }
0x5f: {  	_ =	swait.ge [sflag:s24], $0x3400  }
0x60: {  	[sflag:s24] =	ssyncset.done $0x0  }
0x61: {  	s15 =	sadd.s32 $0xD00, s14;
	[sflag:s24] =	ssyncadd.s32 $0xFFFFCC00  }
0x62: {  	[hbm4b:s15+s3] =	stream.linear.scatter [tilespmem:s17], [sflag:$0x9], $0x3400, $0x38;
	[tilespmem:$0x1B000] =	vst v63  }
0x63: {  	_ =	swait.ge [sflag:s9], $0x3400  }
0x64: {  	[sflag:s9] =	ssyncset.done $0x0  }
0x65: {  	s13 =	simm.s32 $0x600;
	[sflag:s9] =	ssyncadd.s32 $0xFFFFCC00  }
0x66: {  	[tilespmem:s26], [sflag:$0x5] =	stream.indirect.gather [hbm4b:s1+s16], $0x80, s13, s16, $0xb8;
	[tilespmem:$0x1B000] =	vst v63  }
0x67: {  	_ =	swait.ge [sflag:s28], $0x3400  }
0x68: {  	[sflag:s28] =	ssyncset.done $0x0  }
0x69: {  	s15 =	sadd.s32 $0x1380, s14;
	[sflag:s28] =	ssyncadd.s32 $0xFFFFCC00  }
0x6a: {  	[hbm4b:s15+s3] =	stream.linear.scatter [tilespmem:s19], [sflag:$0xA], $0x3400, $0x38;
	[tilespmem:$0x1B000] =	vst v63  }
0x6b: {  	_ =	swait.ge [sflag:s10], $0x3400  }
0x6c: {  	[sflag:s10] =	ssyncset.done $0x0  }
0x6d: {  	s13 =	simm.s32 $0x680;
	[sflag:s10] =	ssyncadd.s32 $0xFFFFCC00  }
0x6e: {  	[tilespmem:s30], [sflag:$0x6] =	stream.indirect.gather [hbm4b:s1+s16], $0x80, s13, s16, $0xb8;
	[tilespmem:$0x1B000] =	vst v63  }
0x6f: {  	_ =	swait.ge [sflag:s31], $0x3400  }
0x70: {  	[sflag:s31] =	ssyncset.done $0x0  }
0x71: {  	s15 =	sadd.s32 $0x1A00, s14;
	[sflag:s31] =	ssyncadd.s32 $0xFFFFCC00  }
0x72: {  	[hbm4b:s15+s3] =	stream.linear.scatter [tilespmem:s21], [sflag:$0xB], $0x3400, $0x38;
	[tilespmem:$0x1B000] =	vst v63  }
0x73: {  	_ =	swait.ge [sflag:s11], $0x3400  }
0x74: {  	[sflag:s11] =	ssyncset.done $0x0  }
0x75: {  	s13 =	simm.s32 $0x700;
	[sflag:s11] =	ssyncadd.s32 $0xFFFFCC00  }
0x76: {  	[tilespmem:s0], [sflag:$0x7] =	stream.indirect.gather [hbm4b:s1+s16], $0x80, s13, s16, $0xb8;
	[tilespmem:$0x1B000] =	vst v63  }
0x77: {  	_ =	swait.ge [sflag:s18], $0x3400  }
0x78: {  	[sflag:s18] =	ssyncset.done $0x0  }
0x79: {  	s15 =	sadd.s32 $0x2080, s14;
	[sflag:s18] =	ssyncadd.s32 $0xFFFFCC00  }
0x7a: {  	[hbm4b:s15+s3] =	stream.linear.scatter [tilespmem:s23], [sflag:$0xC], $0x3400, $0x38;
	[tilespmem:$0x1B000] =	vst v63  }
0x7b: {  	_ =	swait.ge [sflag:s12], $0x3400  }
0x7c: {  	s5 =	simm.s32 $0x1000;
	[sflag:s12] =	ssyncset.done $0x0  }
0x7d: {  	s13 =	simm.s32 $0x780;
	s15 =	sadd.s32 $0x3400, s14;
	[sflag:s12] =	ssyncadd.s32 $0xFFFFCC00  }
.LBB2_2:
0x7e: {  	[tilespmem:s22], [sflag:$0x8] =	stream.indirect.gather [hbm4b:s1+s16], $0x80, s13, s16, $0xb8;
	[tilespmem:$0x1B000] =	vst v63  }
0x7f: {  	s13 =	smov.u32 s5  }
0x80: {  	p0 =	sne.s32 s5, $0x2000;
	s5 =	sadd.s32 $0x1000, s5;
	_ =	swait.ge [sflag:s25], $0x3400  }
0x81: {  	[sflag:s25] =	ssyncset.done $0x0  }
0x82: {  	s14 =	sadd.s32 $0xFFFFF300, s15;
	[sflag:s25] =	ssyncadd.s32 $0xFFFFCC00  }
0x83: {  	[hbm4b:s14+s3] =	stream.linear.scatter [tilespmem:s26], [sflag:$0xD], $0x3400, $0x38;
	[tilespmem:$0x1B000] =	vst v63  }
0x84: {  	_ =	swait.ge [sflag:s29], $0x3400  }
0x85: {  	s13 =	sshra.s32 s13, $0x2;
	[sflag:s29] =	ssyncset.done $0x0  }
0x86: {  	s14 =	sadd.s32 $0x400, s13;
	[sflag:s29] =	ssyncadd.s32 $0xFFFFCC00  }
0x87: {  	[tilespmem:s17], [sflag:$0x1] =	stream.indirect.gather [hbm4b:s1+s16], $0x80, s14, s16, $0xb8;
	[tilespmem:$0x1B000] =	vst v63  }
0x88: {  	_ =	swait.ge [sflag:s2], $0x3400  }
0x89: {  	[sflag:s2] =	ssyncset.done $0x0  }
0x8a: {  	s14 =	sadd.s32 $0xFFFFF980, s15;
	[sflag:s2] =	ssyncadd.s32 $0xFFFFCC00  }
0x8b: {  	[hbm4b:s14+s3] =	stream.linear.scatter [tilespmem:s30], [sflag:$0xE], $0x3400, $0x38;
	[tilespmem:$0x1B000] =	vst v63  }
0x8c: {  	_ =	swait.ge [sflag:s20], $0x3400  }
0x8d: {  	[sflag:s20] =	ssyncset.done $0x0  }
0x8e: {  	s14 =	sadd.s32 $0x480, s13;
	[sflag:s20] =	ssyncadd.s32 $0xFFFFCC00  }
0x8f: {  	[tilespmem:s19], [sflag:$0x2] =	stream.indirect.gather [hbm4b:s1+s16], $0x80, s14, s16, $0xb8;
	[tilespmem:$0x1B000] =	vst v63  }
0x90: {  	_ =	swait.ge [sflag:s4], $0x3400  }
0x91: {  	[sflag:s4] =	ssyncset.done $0x0  }
0x92: {  	[sflag:s4] =	ssyncadd.s32 $0xFFFFCC00  }
0x93: {  	[hbm4b:s15+s3] =	stream.linear.scatter [tilespmem:s0], [sflag:$0xF], $0x3400, $0x38;
	[tilespmem:$0x1B000] =	vst v63  }
0x94: {  	_ =	swait.ge [sflag:s6], $0x3400  }
0x95: {  	[sflag:s6] =	ssyncset.done $0x0  }
0x96: {  	s14 =	sadd.s32 $0x500, s13;
	[sflag:s6] =	ssyncadd.s32 $0xFFFFCC00  }
0x97: {  	[tilespmem:s21], [sflag:$0x3] =	stream.indirect.gather [hbm4b:s1+s16], $0x80, s14, s16, $0xb8;
	[tilespmem:$0x1B000] =	vst v63  }
0x98: {  	_ =	swait.ge [sflag:s7], $0x3400  }
0x99: {  	[sflag:s7] =	ssyncset.done $0x0  }
0x9a: {  	s14 =	sadd.s32 $0x680, s15;
	[sflag:s7] =	ssyncadd.s32 $0xFFFFCC00  }
0x9b: {  	[hbm4b:s14+s3] =	stream.linear.scatter [tilespmem:s22], [sflag:$0x10], $0x3400, $0x38;
	[tilespmem:$0x1B000] =	vst v63  }
0x9c: {  	_ =	swait.ge [sflag:s8], $0x3400  }
0x9d: {  	[sflag:s8] =	ssyncset.done $0x0  }
0x9e: {  	s14 =	sadd.s32 $0x580, s13;
	[sflag:s8] =	ssyncadd.s32 $0xFFFFCC00  }
0x9f: {  	[tilespmem:s23], [sflag:$0x4] =	stream.indirect.gather [hbm4b:s1+s16], $0x80, s14, s16, $0xb8;
	[tilespmem:$0x1B000] =	vst v63  }
0xa0: {  	_ =	swait.ge [sflag:s24], $0x3400  }
0xa1: {  	[sflag:s24] =	ssyncset.done $0x0  }
0xa2: {  	s14 =	sadd.s32 $0xD00, s15;
	[sflag:s24] =	ssyncadd.s32 $0xFFFFCC00  }
0xa3: {  	[hbm4b:s14+s3] =	stream.linear.scatter [tilespmem:s17], [sflag:$0x9], $0x3400, $0x38;
	[tilespmem:$0x1B000] =	vst v63  }
0xa4: {  	_ =	swait.ge [sflag:s9], $0x3400  }
0xa5: {  	[sflag:s9] =	ssyncset.done $0x0  }
0xa6: {  	s14 =	sadd.s32 $0x600, s13;
	[sflag:s9] =	ssyncadd.s32 $0xFFFFCC00  }
0xa7: {  	[tilespmem:s26], [sflag:$0x5] =	stream.indirect.gather [hbm4b:s1+s16], $0x80, s14, s16, $0xb8;
	[tilespmem:$0x1B000] =	vst v63  }
0xa8: {  	_ =	swait.ge [sflag:s28], $0x3400  }
0xa9: {  	[sflag:s28] =	ssyncset.done $0x0  }
0xaa: {  	s14 =	sadd.s32 $0x1380, s15;
	[sflag:s28] =	ssyncadd.s32 $0xFFFFCC00  }
0xab: {  	[hbm4b:s14+s3] =	stream.linear.scatter [tilespmem:s19], [sflag:$0xA], $0x3400, $0x38;
	[tilespmem:$0x1B000] =	vst v63  }
0xac: {  	_ =	swait.ge [sflag:s10], $0x3400  }
0xad: {  	[sflag:s10] =	ssyncset.done $0x0  }
0xae: {  	s14 =	sadd.s32 $0x680, s13;
	[sflag:s10] =	ssyncadd.s32 $0xFFFFCC00  }
0xaf: {  	[tilespmem:s30], [sflag:$0x6] =	stream.indirect.gather [hbm4b:s1+s16], $0x80, s14, s16, $0xb8;
	[tilespmem:$0x1B000] =	vst v63  }
0xb0: {  	_ =	swait.ge [sflag:s31], $0x3400  }
0xb1: {  	[sflag:s31] =	ssyncset.done $0x0  }
0xb2: {  	s14 =	sadd.s32 $0x1A00, s15;
	[sflag:s31] =	ssyncadd.s32 $0xFFFFCC00  }
0xb3: {  	[hbm4b:s14+s3] =	stream.linear.scatter [tilespmem:s21], [sflag:$0xB], $0x3400, $0x38;
	[tilespmem:$0x1B000] =	vst v63  }
0xb4: {  	_ =	swait.ge [sflag:s11], $0x3400  }
0xb5: {  	[sflag:s11] =	ssyncset.done $0x0  }
0xb6: {  	s14 =	sadd.s32 $0x700, s13;
	[sflag:s11] =	ssyncadd.s32 $0xFFFFCC00  }
0xb7: {  	[tilespmem:s0], [sflag:$0x7] =	stream.indirect.gather [hbm4b:s1+s16], $0x80, s14, s16, $0xb8;
	[tilespmem:$0x1B000] =	vst v63  }
0xb8: {  	_ =	swait.ge [sflag:s18], $0x3400  }
0xb9: {  	[sflag:s18] =	ssyncset.done $0x0  }
.Ltmp0:
0xba: {  	s14 =	sadd.s32 $0x2080, s15;
	[sflag:s18] =	ssyncadd.s32 $0xFFFFCC00;
	(pc) =	sbr.rel @p0 .LBB2_2-.Ltmp0, $4  }
0xbb: {  	[hbm4b:s14+s3] =	stream.linear.scatter [tilespmem:s23], [sflag:$0xC], $0x3400, $0x38;
	[tilespmem:$0x1B000] =	vst v63  }
0xbc: {  	_ =	swait.ge [sflag:s12], $0x3400  }
0xbd: {  	[sflag:s12] =	ssyncset.done $0x0  }
0xbe: {  	s13 =	sadd.s32 $0x780, s13;
	s15 =	sadd.s32 $0x3400, s15;
	[sflag:s12] =	ssyncadd.s32 $0xFFFFCC00  }
0xbf: {  	[tilespmem:s22], [sflag:$0x8] =	stream.indirect.gather [hbm4b:s1+s16], $0x80, s13, s16, $0xb8;
	[tilespmem:$0x1B000] =	vst v63  }
0xc0: {  	_ =	swait.ge [sflag:s25], $0x3400  }
0xc1: {  	[sflag:s25] =	ssyncset.done $0x0  }
0xc2: {  	s5 =	rddreg [dreg:$0x9];
	[sflag:s25] =	ssyncadd.s32 $0xFFFFCC00  }
0xc3: {  	[hbm4b:s5+s3] =	stream.linear.scatter [tilespmem:s26], [sflag:$0xD], $0x3400, $0x38;
	[tilespmem:$0x1B000] =	vst v63  }
0xc4: {  	_ =	swait.ge [sflag:s2], $0x3400  }
0xc5: {  	[sflag:s2] =	ssyncset.done $0x0  }
0xc6: {  	s14 =	rddreg [dreg:$0xa];
	[sflag:s2] =	ssyncadd.s32 $0xFFFFCC00  }
0xc7: {  	[hbm4b:s14+s3] =	stream.linear.scatter [tilespmem:s30], [sflag:$0xE], $0x3400, $0x38;
	[tilespmem:$0x1B000] =	vst v63  }
0xc8: {  	_ =	swait.ge [sflag:s4], $0x3400  }
0xc9: {  	[sflag:s4] =	ssyncset.done $0x0  }
0xca: {  	s15 =	rddreg [dreg:$0xb];
	[sflag:s4] =	ssyncadd.s32 $0xFFFFCC00  }
0xcb: {  	[hbm4b:s15+s3] =	stream.linear.scatter [tilespmem:s0], [sflag:$0xF], $0x3400, $0x38;
	[tilespmem:$0x1B000] =	vst v63  }
0xcc: {  	_ =	swait.ge [sflag:s7], $0x3400  }
0xcd: {  	[sflag:s7] =	ssyncset.done $0x0  }
0xce: {  	s13 =	rddreg [dreg:$0xc];
	[sflag:s7] =	ssyncadd.s32 $0xFFFFCC00  }
0xcf: {  	[hbm4b:s13+s3] =	stream.linear.scatter [tilespmem:s22], [sflag:$0x10], $0x3400, $0x38;
	[tilespmem:$0x1B000] =	vst v63  }
0xd0: {  	_ =	swait.ge [sflag:s29], $0x3400  }
0xd1: {  	[sflag:s29] =	ssyncset.done $0x0  }
0xd2: {  	[sflag:s29] =	ssyncadd.s32 $0xFFFFCC00  }
0xd3: {  	_ =	swait.ge [sflag:s20], $0x3400  }
0xd4: {  	[sflag:s20] =	ssyncset.done $0x0  }
0xd5: {  	[sflag:s20] =	ssyncadd.s32 $0xFFFFCC00  }
0xd6: {  	_ =	swait.ge [sflag:s6], $0x3400  }
0xd7: {  	[sflag:s6] =	ssyncset.done $0x0  }
0xd8: {  	[sflag:s6] =	ssyncadd.s32 $0xFFFFCC00  }
0xd9: {  	_ =	swait.ge [sflag:s8], $0x3400  }
0xda: {  	[sflag:s8] =	ssyncset.done $0x0  }
0xdb: {  	[sflag:s8] =	ssyncadd.s32 $0xFFFFCC00  }
0xdc: {  	_ =	swait.ge [sflag:s9], $0x3400  }
0xdd: {  	[sflag:s9] =	ssyncset.done $0x0  }
0xde: {  	[sflag:s9] =	ssyncadd.s32 $0xFFFFCC00  }
0xdf: {  	_ =	swait.ge [sflag:s10], $0x3400  }
0xe0: {  	[sflag:s10] =	ssyncset.done $0x0  }
0xe1: {  	[sflag:s10] =	ssyncadd.s32 $0xFFFFCC00  }
0xe2: {  	_ =	swait.ge [sflag:s11], $0x3400  }
0xe3: {  	[sflag:s11] =	ssyncset.done $0x0  }
0xe4: {  	[sflag:s11] =	ssyncadd.s32 $0xFFFFCC00  }
0xe5: {  	_ =	swait.ge [sflag:s12], $0x3400  }
0xe6: {  	s14 =	rddreg [dreg:$0xf]  }
0xe7: {  	s15 =	rddreg [dreg:$0xd];
	s13 =	sadd.s32 $0x1, s14  }
0xe8: {  	p0 =	sne.s32 s13, s15  }
.Ltmp1:
0xe9: {  	_ = 	snop;
	(pc) =	sbr.rel @p0 .LBB2_1-.Ltmp1, $3  }
0xea: {  	_ =	sdelay $0x1  }
0xeb: {  	[sflag:s12] =	ssyncset.done $0x0  }
0xec: {  	[sflag:s12] =	ssyncadd.s32 $0xFFFFCC00  }
0xed: {  	_ =	sfence.sel $0x180000  }
0xee: {  	[bflag:$0x0] =	sbarrier.arrive $0xFFFF  }
0xef: {  	_ =	strace $0x90000047  }
0xf0: {  	s0 =	stileid.u32;
	[bflag:$0x2] =	sbarrier.arrive $0xFFFF  }
0xf1: {  	p0 =	sne.s32 s0, $0x0;
	s0 =	rddreg [dreg:$0x3]  }
0xf2: {  	s0 =	sadd.s32 @!p0 $0x100000, s0  }
0xf3: {  	[sflag:s0] =	ssyncadd.tile.s32 @!p0 $0x1;
	_ =	shalt  }
.Lfunc_end2:
_tile_overlayer_lowered:
.L_overlay_start_2:
0xf4: {  	(tag) =	ssettag $0x2  }
0xf5: {  	s0 =	rddreg [dreg:$0x0];
	s2 =	stileid.u32  }
0xf6: {  	s1 =	rddreg [dreg:$0x1];
	p0 =	sne.s32 s2, $0x0  }
0xf7: {  	s3 =	rddreg [dreg:$0x2];
	[bflag:$0x3] =	sbarrier.arrive $0xFFFF;
	s2 =	simm.s32 @!p0 $0x1C11  }
0xf8: {  	[timem:s3], [sflag:s2] =	dma.local @!p0 [hbm:s0], s1  }
0xf9: {  	s0 =	simm.s32 @!p0 $0x11  }
0xfa: {  	_ =	swait.ge @!p0 [sflag:s0], s1  }
0xfb: {  	s1 =	ssub.s32 @!p0 $0x0, s1;
	[sflag:s0] =	ssyncset.done @!p0 $0x0  }
0xfc: {  	[sflag:s0] =	ssyncadd.s32 @!p0 s1  }
0xfd: {  	[bflag:$0x3] =	sbarrier.arrive $0xFFFF  }
0xfe: {  	_ =	shalt  }

</sc_bundles>
